<compile_context>
chip_gen: v7x
topology: tpu7x:2x2x1
jax: 0.10.2.dev20260603
libtpu: 0.0.44.dev20260713+nightly
codegen_flags: <defaults>
</compile_context>

<pallas_src>
import functools

import jax
import jax.numpy as jnp
from jax import lax
from jax.experimental import pallas as pl
from jax.experimental.pallas import tpu as pltpu
from jax.experimental.pallas import tpu_sc as plsc

_RADIUS2 = 0.0625
_K_NB = 10
_K = 8192
_Q_BLK = 400

_NW = 32
_B_PAD = 102400
_ROW = 4


def _bq_body(q_ref, pts_ref, ptsT_ref, map_ref, gidx_ref):
    q = q_ref[...]
    pts = pts_ref[...]
    ptsT = ptsT_ref[...]
    q2 = jnp.sum(q * q, axis=1, keepdims=True)
    p2 = jnp.sum(pts * pts, axis=1, keepdims=True).reshape(1, _K)
    qp = jax.lax.dot_general(
        q.astype(jnp.bfloat16), ptsT.astype(jnp.bfloat16),
        (((1,), (0,)), ((), ())),
        preferred_element_type=jnp.float32,
        precision=jax.lax.Precision.DEFAULT,
    )
    d2 = q2 + p2 - 2.0 * qp

    h = _K // 2
    l, r = d2[:, :h], d2[:, h:]
    piota = jax.lax.broadcasted_iota(jnp.int32, (_Q_BLK, h), 1)
    le = l <= r
    minv = jnp.where(le, l, r)
    mini = jnp.where(le, piota, piota + h)
    maxv = jnp.where(le, r, l)
    maxi = jnp.where(le, piota + h, piota)

    pidx = None
    for i in range(_K_NB):
        if pidx is not None:
            hit = piota == pidx
            minv = jnp.where(hit, maxv, minv)
            mini = jnp.where(hit, maxi, mini)
            maxv = jnp.where(hit, jnp.inf, maxv)
        m = jnp.min(minv, axis=1, keepdims=True)
        idx = jnp.min(jnp.where(minv == m, mini, _K), axis=1, keepdims=True)
        pidx = jnp.bitwise_and(idx, h - 1)
        valid = m <= _RADIUS2
        map_ref[:, i] = jnp.where(valid, idx, -1)[:, 0]
        gidx_ref[:, i] = jnp.where(valid, idx, _K)[:, 0]


def _sc_gather(table_hbm, gidx_hbm, out_hbm, tab_v, idx_v, rx_v, ry_v, rz_v):
    wid = lax.axis_index("s") * 2 + lax.axis_index("c")
    bpw = _B_PAD // _NW
    base = wid * bpw
    pltpu.sync_copy(table_hbm, tab_v)
    pltpu.sync_copy(gidx_hbm.at[pl.ds(base, bpw)], idx_v)

    def body(t, carry):
        o = t * 16
        a = idx_v[pl.ds(o, 16)] * _ROW
        rx_v[pl.ds(o, 16)] = plsc.load_gather(tab_v, [a])
        ry_v[pl.ds(o, 16)] = plsc.load_gather(tab_v, [a + 1])
        rz_v[pl.ds(o, 16)] = plsc.load_gather(tab_v, [a + 2])
        return carry

    lax.fori_loop(0, bpw // 16, body, 0)
    pltpu.sync_copy(rx_v, out_hbm.at[pl.ds(base, bpw)])
    pltpu.sync_copy(ry_v, out_hbm.at[pl.ds(_B_PAD + base, bpw)])
    pltpu.sync_copy(rz_v, out_hbm.at[pl.ds(2 * _B_PAD + base, bpw)])


@functools.partial(jax.jit, static_argnames=())
def kernel(x, p_grid):
    q = x[0]
    n = q.shape[0]
    pts = p_grid.reshape(_K, 3)
    ptsT = pts.T
    n_pad = ((n + _Q_BLK - 1) // _Q_BLK) * _Q_BLK
    if n_pad != n:
        q = jnp.concatenate([q, jnp.zeros((n_pad - n, 3), q.dtype)], axis=0)
    grid = n_pad // _Q_BLK

    map_t, gidx = pl.pallas_call(
        _bq_body,
        grid=(grid,),
        in_specs=[
            pl.BlockSpec((_Q_BLK, 3), lambda i: (i, 0)),
            pl.BlockSpec((_K, 3), lambda i: (0, 0)),
            pl.BlockSpec((3, _K), lambda i: (0, 0)),
        ],
        out_specs=[
            pl.BlockSpec((_Q_BLK, _K_NB), lambda i: (i, 0)),
            pl.BlockSpec((_Q_BLK, _K_NB), lambda i: (i, 0)),
        ],
        out_shape=[
            jax.ShapeDtypeStruct((n_pad, _K_NB), jnp.int32),
            jax.ShapeDtypeStruct((n_pad, _K_NB), jnp.int32),
        ],
    )(q, pts, ptsT)

    mapping = map_t[:n][None]

    table = jnp.zeros((_K + 8, _ROW), jnp.float32).at[:_K, :3].set(pts)
    table_flat = table.reshape((_K + 8) * _ROW)
    gidx_flat = gidx[:n].reshape(n * _K_NB)
    gidx_flat = jnp.concatenate(
        [gidx_flat, jnp.full((_B_PAD - n * _K_NB,), _K, jnp.int32)])

    bpw = _B_PAD // _NW
    mesh = plsc.VectorSubcoreMesh(core_axis_name="c", subcore_axis_name="s")
    gathered = pl.kernel(
        _sc_gather,
        mesh=mesh,
        compiler_params=pltpu.CompilerParams(needs_layout_passes=False),
        out_type=jax.ShapeDtypeStruct((3 * _B_PAD,), jnp.float32),
        scratch_types=[
            pltpu.VMEM(((_K + 8) * _ROW,), jnp.float32),
            pltpu.VMEM((bpw,), jnp.int32),
            pltpu.VMEM((bpw,), jnp.float32),
            pltpu.VMEM((bpw,), jnp.float32),
            pltpu.VMEM((bpw,), jnp.float32),
        ],
    )(table_flat, gidx_flat)

    outs = gathered.reshape(3, _B_PAD).T[:n * _K_NB].reshape(n, _K_NB, 3)[None]
    return (mapping, outs)

# --- scband reference (transcript-rebuilt; emitter-appended) ---
"""Pipeline reference for scband-do-mino-11450382811535 (READ-ONLY COPY).

The authoritative reference and input builder live on the scoring server;
editing this copy changes nothing except your own understanding.
"""

import jax, jax.numpy as jnp
import numpy as np

RADIUS = 0.25
K_NEIGHBORS = 10
GRID = (32, 16, 16)

def setup_inputs(seed: int = 0) -> dict:
    key = jax.random.key(seed)
    k1, k2 = jax.random.split(key)
    x = jax.random.uniform(k1, (1, 10000, 3), dtype=jnp.float32)
    p_grid = jax.random.uniform(k2, (1, GRID[0], GRID[1], GRID[2], 3), dtype=jnp.float32)
    return {"x": x, "p_grid": p_grid}

def reference(x, p_grid):
    # BQWarp.forward with reverse_mapping=True: for each point in x, find up to
    # neighbors_in_radius grid points within `radius`, return (mapping, outputs).
    nx, ny, nz = GRID
    pg = p_grid.reshape(1, nx * ny * nz, 3)
    q = x[0, :, :3]            # (N, 3) query coords
    pts = pg[0]                # (K, 3) grid point coords
    # squared pairwise distances via matmul form (avoids (N,K,3) temp)
    q2 = jnp.sum(q * q, axis=-1)[:, None]
    p2 = jnp.sum(pts * pts, axis=-1)[None, :]
    d2 = q2 + p2 - 2.0 * (q @ pts.T)   # (N, K)
    topv, topi = jax.lax.top_k(-d2, K_NEIGHBORS)
    dist2 = -topv
    valid = dist2 <= (RADIUS * RADIUS)
    mapping = jnp.where(valid, topi, -1)            # (N, k) int indices, -1 = no neighbor
    outs = jnp.take(pts, topi, axis=0)              # (N, k, 3) gathered neighbor coords
    outs = outs * valid[..., None].astype(outs.dtype)
    return (mapping[None], outs[None])

if __name__ == "__main__":
    import jax
    _d = setup_inputs()
    print(jax.jit(kernel)(*tuple(_d.values())))

</pallas_src>

<mosaic_0001>
#map = affine_map<(d0, d1) -> (0)>
module attributes {stable_mosaic.version = 14 : i64} {
  func.func @_sc_gather(%arg0: i32, %arg1: i32, %arg2: memref<32800xf32, #tpu.memory_space<hbm>>, %arg3: memref<102400xi32, #tpu.memory_space<hbm>>, %arg4: memref<307200xf32, #tpu.memory_space<hbm>>, %arg5: memref<32800xf32, #tpu.memory_space<vmem>>, %arg6: memref<3200xi32, #tpu.memory_space<vmem>>, %arg7: memref<3200xf32, #tpu.memory_space<vmem>>, %arg8: memref<3200xf32, #tpu.memory_space<vmem>>, %arg9: memref<3200xf32, #tpu.memory_space<vmem>>) attributes {dimension_semantics = [#tpu.dimension_semantics<core_parallel>, #tpu.dimension_semantics<subcore_parallel>], iteration_bounds = array<i64: 2, 16>, scalar_prefetch = 0 : i64, scratch_operands = 5 : i64, tpu.core_type = #tpu.core_type<sc_vector_subcore>, window_params = [{transform_indices = #map}, {transform_indices = #map}, {transform_indices = #map}]} {
    %mul3A = arith.constant 2 : i32
    %mul3A_0 = arith.muli %arg1, %mul3A : i32
    %add3A = arith.addi %mul3A_0, %arg0 : i32
    %mul3A_1 = arith.constant 3200 : i32
    %mul3A_2 = arith.muli %add3A, %mul3A_1 : i32
    "tpu.region"() ({
      %run_scoped3A = tpu.sem_alloc : memref<!tpu.dma_semaphore, #tpu.memory_space<semaphore_mem>>
      tpu.enqueue_dma source(%arg2 : memref<32800xf32, #tpu.memory_space<hbm>>) target(%arg5 : memref<32800xf32, #tpu.memory_space<vmem>>) target_semaphore(%run_scoped3A : memref<!tpu.dma_semaphore, #tpu.memory_space<semaphore_mem>>)
      tpu.wait_dma2 semaphore(%run_scoped3A : memref<!tpu.dma_semaphore, #tpu.memory_space<semaphore_mem>>) src(%arg2 : memref<32800xf32, #tpu.memory_space<hbm>>) dst(%arg5 : memref<32800xf32, #tpu.memory_space<vmem>>)
      tpu.yield
    }) : () -> ()
    "tpu.region"() ({
      %run_scoped3A = tpu.sem_alloc : memref<!tpu.dma_semaphore, #tpu.memory_space<semaphore_mem>>
      %dma_start3A = tpu.memref_slice %arg3[%mul3A_2] : memref<102400xi32, #tpu.memory_space<hbm>> -> memref<3200xi32, #tpu.memory_space<hbm>>
      %dma_start3A_12 = tpu.memref_slice %arg3[%mul3A_2] : memref<102400xi32, #tpu.memory_space<hbm>> -> memref<3200xi32, #tpu.memory_space<hbm>>
      tpu.enqueue_dma source(%dma_start3A_12 : memref<3200xi32, #tpu.memory_space<hbm>>) target(%arg6 : memref<3200xi32, #tpu.memory_space<vmem>>) target_semaphore(%run_scoped3A : memref<!tpu.dma_semaphore, #tpu.memory_space<semaphore_mem>>)
      %dma_wait3A = tpu.memref_slice %arg3[%mul3A_2] : memref<102400xi32, #tpu.memory_space<hbm>> -> memref<3200xi32, #tpu.memory_space<hbm>>
      %dma_wait3A_13 = tpu.memref_slice %arg3[%mul3A_2] : memref<102400xi32, #tpu.memory_space<hbm>> -> memref<3200xi32, #tpu.memory_space<hbm>>
      tpu.wait_dma2 semaphore(%run_scoped3A : memref<!tpu.dma_semaphore, #tpu.memory_space<semaphore_mem>>) src(%dma_wait3A_13 : memref<3200xi32, #tpu.memory_space<hbm>>) dst(%arg6 : memref<3200xi32, #tpu.memory_space<vmem>>)
      tpu.yield
    }) : () -> ()
    %scan3A = arith.constant 0 : i32
    %scan3A_3 = arith.constant 0 : i32
    %scan3A_4 = arith.constant 200 : i32
    %scan3A_5 = arith.addi %scan3A_3, %scan3A_4 : i32
    %scan3A_6 = arith.constant 1 : i32
    scf.for %scan3A_12 = %scan3A_3 to %scan3A_5 step %scan3A_6  : i32 {
      %mul3A_13 = arith.constant 16 : i32
      %mul3A_14 = arith.muli %scan3A_12, %mul3A_13 : i32
      %get3A = arith.index_cast %mul3A_14 : i32 to index
      %get3A_15 = tpu.vector_load %arg6[%get3A] {strides = array<i32>} : memref<3200xi32, #tpu.memory_space<vmem>>, vector<16xi32>,
      %mul3A_16 = arith.constant 4 : i32
      %mul3A_17 = vector.broadcast %mul3A_16 : i32 to vector<16xi32>
      %mul3A_18 = arith.muli %get3A_15, %mul3A_17 : vector<16xi32>
      %gather3A = tpu.vector_load_idx %arg5[%mul3A_18] : memref<32800xf32, #tpu.memory_space<vmem>>[vector<16xi32>], vector<16xf32>,
      %swap3A = arith.index_cast %mul3A_14 : i32 to index
      %swap3A_19 = tpu.vector_load %arg7[%swap3A] {strides = array<i32>} : memref<3200xf32, #tpu.memory_space<vmem>>, vector<16xf32>,
      tpu.vector_store %arg7[%swap3A], %gather3A {strides = array<i32>} : memref<3200xf32, #tpu.memory_space<vmem>>, vector<16xf32>,
      %add3A_20 = arith.constant 1 : i32
      %add3A_21 = vector.broadcast %add3A_20 : i32 to vector<16xi32>
      %add3A_22 = arith.addi %mul3A_18, %add3A_21 : vector<16xi32>
      %gather3A_23 = tpu.vector_load_idx %arg5[%add3A_22] : memref<32800xf32, #tpu.memory_space<vmem>>[vector<16xi32>], vector<16xf32>,
      %swap3A_24 = arith.index_cast %mul3A_14 : i32 to index
      %swap3A_25 = tpu.vector_load %arg8[%swap3A_24] {strides = array<i32>} : memref<3200xf32, #tpu.memory_space<vmem>>, vector<16xf32>,
      tpu.vector_store %arg8[%swap3A_24], %gather3A_23 {strides = array<i32>} : memref<3200xf32, #tpu.memory_space<vmem>>, vector<16xf32>,
      %add3A_26 = arith.constant 2 : i32
      %add3A_27 = vector.broadcast %add3A_26 : i32 to vector<16xi32>
      %add3A_28 = arith.addi %mul3A_18, %add3A_27 : vector<16xi32>
      %gather3A_29 = tpu.vector_load_idx %arg5[%add3A_28] : memref<32800xf32, #tpu.memory_space<vmem>>[vector<16xi32>], vector<16xf32>,
      %swap3A_30 = arith.index_cast %mul3A_14 : i32 to index
      %swap3A_31 = tpu.vector_load %arg9[%swap3A_30] {strides = array<i32>} : memref<3200xf32, #tpu.memory_space<vmem>>, vector<16xf32>,
      tpu.vector_store %arg9[%swap3A_30], %gather3A_29 {strides = array<i32>} : memref<3200xf32, #tpu.memory_space<vmem>>, vector<16xf32>,
    }
    %scan3A_7 = arith.constant 200 : i32
    "tpu.region"() ({
      %run_scoped3A = tpu.sem_alloc : memref<!tpu.dma_semaphore, #tpu.memory_space<semaphore_mem>>
      %dma_start3A = tpu.memref_slice %arg4[%mul3A_2] : memref<307200xf32, #tpu.memory_space<hbm>> -> memref<3200xf32, #tpu.memory_space<hbm>>
      %dma_start3A_12 = tpu.memref_slice %arg4[%mul3A_2] : memref<307200xf32, #tpu.memory_space<hbm>> -> memref<3200xf32, #tpu.memory_space<hbm>>
      tpu.enqueue_dma source(%arg7 : memref<3200xf32, #tpu.memory_space<vmem>>) target(%dma_start3A_12 : memref<3200xf32, #tpu.memory_space<hbm>>) target_semaphore(%run_scoped3A : memref<!tpu.dma_semaphore, #tpu.memory_space<semaphore_mem>>)
      %dma_wait3A = tpu.memref_slice %arg4[%mul3A_2] : memref<307200xf32, #tpu.memory_space<hbm>> -> memref<3200xf32, #tpu.memory_space<hbm>>
      %dma_wait3A_13 = tpu.memref_slice %arg4[%mul3A_2] : memref<307200xf32, #tpu.memory_space<hbm>> -> memref<3200xf32, #tpu.memory_space<hbm>>
      tpu.wait_dma2 semaphore(%run_scoped3A : memref<!tpu.dma_semaphore, #tpu.memory_space<semaphore_mem>>) src(%arg7 : memref<3200xf32, #tpu.memory_space<vmem>>) dst(%dma_wait3A_13 : memref<3200xf32, #tpu.memory_space<hbm>>)
      tpu.yield
    }) : () -> ()
    %add3A_8 = arith.constant 102400 : i32
    %add3A_9 = arith.addi %add3A_8, %mul3A_2 : i32
    "tpu.region"() ({
      %run_scoped3A = tpu.sem_alloc : memref<!tpu.dma_semaphore, #tpu.memory_space<semaphore_mem>>
      %dma_start3A = tpu.memref_slice %arg4[%add3A_9] : memref<307200xf32, #tpu.memory_space<hbm>> -> memref<3200xf32, #tpu.memory_space<hbm>>
      %dma_start3A_12 = tpu.memref_slice %arg4[%add3A_9] : memref<307200xf32, #tpu.memory_space<hbm>> -> memref<3200xf32, #tpu.memory_space<hbm>>
      tpu.enqueue_dma source(%arg8 : memref<3200xf32, #tpu.memory_space<vmem>>) target(%dma_start3A_12 : memref<3200xf32, #tpu.memory_space<hbm>>) target_semaphore(%run_scoped3A : memref<!tpu.dma_semaphore, #tpu.memory_space<semaphore_mem>>)
      %dma_wait3A = tpu.memref_slice %arg4[%add3A_9] : memref<307200xf32, #tpu.memory_space<hbm>> -> memref<3200xf32, #tpu.memory_space<hbm>>
      %dma_wait3A_13 = tpu.memref_slice %arg4[%add3A_9] : memref<307200xf32, #tpu.memory_space<hbm>> -> memref<3200xf32, #tpu.memory_space<hbm>>
      tpu.wait_dma2 semaphore(%run_scoped3A : memref<!tpu.dma_semaphore, #tpu.memory_space<semaphore_mem>>) src(%arg8 : memref<3200xf32, #tpu.memory_space<vmem>>) dst(%dma_wait3A_13 : memref<3200xf32, #tpu.memory_space<hbm>>)
      tpu.yield
    }) : () -> ()
    %add3A_10 = arith.constant 204800 : i32
    %add3A_11 = arith.addi %add3A_10, %mul3A_2 : i32
    "tpu.region"() ({
      %run_scoped3A = tpu.sem_alloc : memref<!tpu.dma_semaphore, #tpu.memory_space<semaphore_mem>>
      %dma_start3A = tpu.memref_slice %arg4[%add3A_11] : memref<307200xf32, #tpu.memory_space<hbm>> -> memref<3200xf32, #tpu.memory_space<hbm>>
      %dma_start3A_12 = tpu.memref_slice %arg4[%add3A_11] : memref<307200xf32, #tpu.memory_space<hbm>> -> memref<3200xf32, #tpu.memory_space<hbm>>
      tpu.enqueue_dma source(%arg9 : memref<3200xf32, #tpu.memory_space<vmem>>) target(%dma_start3A_12 : memref<3200xf32, #tpu.memory_space<hbm>>) target_semaphore(%run_scoped3A : memref<!tpu.dma_semaphore, #tpu.memory_space<semaphore_mem>>)
      %dma_wait3A = tpu.memref_slice %arg4[%add3A_11] : memref<307200xf32, #tpu.memory_space<hbm>> -> memref<3200xf32, #tpu.memory_space<hbm>>
      %dma_wait3A_13 = tpu.memref_slice %arg4[%add3A_11] : memref<307200xf32, #tpu.memory_space<hbm>> -> memref<3200xf32, #tpu.memory_space<hbm>>
      tpu.wait_dma2 semaphore(%run_scoped3A : memref<!tpu.dma_semaphore, #tpu.memory_space<semaphore_mem>>) src(%arg9 : memref<3200xf32, #tpu.memory_space<vmem>>) dst(%dma_wait3A_13 : memref<3200xf32, #tpu.memory_space<hbm>>)
      tpu.yield
    }) : () -> ()
    return
  }
}

module attributes {stable_mosaic.version = 14 : i64} {
  func.func @_bq_body(%arg0: i32, %arg1: memref<400x3xf32, #tpu.memory_space<vmem>>, %arg2: memref<8192x3xf32, #tpu.memory_space<vmem>>, %arg3: memref<3x8192xf32, #tpu.memory_space<vmem>>, %arg4: memref<400x10xi32, #tpu.memory_space<vmem>>, %arg5: memref<400x10xi32, #tpu.memory_space<vmem>>) attributes {dimension_semantics = [#tpu.dimension_semantics<arbitrary>], iteration_bounds = array<i64: 25>, scalar_prefetch = 0 : i64, scratch_operands = 0 : i64, tpu.core_type = #tpu.core_type<tc>, window_params = [{transform_indices = @transform_0, window_bounds = array<i64: 400, 3>}, {pipeline_mode = #tpu.pipeline_mode<synchronous>, transform_indices = @transform_1, window_bounds = array<i64: 8192, 3>}, {pipeline_mode = #tpu.pipeline_mode<synchronous>, transform_indices = @transform_2, window_bounds = array<i64: 3, 8192>}, {transform_indices = @transform_3, window_bounds = array<i64: 400, 10>}, {transform_indices = @transform_4, window_bounds = array<i64: 400, 10>}]} {
    %get3A = arith.constant 0 : index
    %get3A_0 = arith.constant 0 : index
    %get3A_1 = vector.load %arg1[%get3A, %get3A_0] : memref<400x3xf32, #tpu.memory_space<vmem>>, vector<400x3xf32>
    %get3A_2 = arith.constant 0 : index
    %get3A_3 = arith.constant 0 : index
    %get3A_4 = vector.load %arg2[%get3A_2, %get3A_3] : memref<8192x3xf32, #tpu.memory_space<vmem>>, vector<8192x3xf32>
    %get3A_5 = arith.constant 0 : index
    %get3A_6 = arith.constant 0 : index
    %get3A_7 = vector.load %arg3[%get3A_5, %get3A_6] : memref<3x8192xf32, #tpu.memory_space<vmem>>, vector<3x8192xf32>
    %mul3A = arith.mulf %get3A_1, %get3A_1 : vector<400x3xf32>
    %reduce_sum3A = arith.constant dense<0.000000e+00> : vector<400xf32>
    %reduce_sum3A_8 = vector.multi_reduction <add>, %mul3A, %reduce_sum3A [1] : vector<400x3xf32> to vector<400xf32>
    %broadcast_in_dim3A = vector.shape_cast %reduce_sum3A_8 : vector<400xf32> to vector<400x1xf32>
    %mul3A_9 = arith.mulf %get3A_4, %get3A_4 : vector<8192x3xf32>
    %reduce_sum3A_10 = arith.constant dense<0.000000e+00> : vector<8192xf32>
    %reduce_sum3A_11 = vector.multi_reduction <add>, %mul3A_9, %reduce_sum3A_10 [1] : vector<8192x3xf32> to vector<8192xf32>
    %broadcast_in_dim3A_12 = vector.shape_cast %reduce_sum3A_11 : vector<8192xf32> to vector<8192x1xf32>
    %reshape3A = vector.shape_cast %broadcast_in_dim3A_12 : vector<8192x1xf32> to vector<1x8192xf32>
    %convert_element_type3A = arith.truncf %get3A_1 : vector<400x3xf32> to vector<400x3xbf16>
    %convert_element_type3A_13 = arith.truncf %get3A_7 : vector<3x8192xf32> to vector<3x8192xbf16>
    %dot_general3A = arith.constant dense<0.000000e+00> : vector<400x8192xf32>
    %dot_general3A_14 = tpu.matmul %convert_element_type3A, %convert_element_type3A_13, %dot_general3A {dimension_numbers = #tpu.dot_dimension_numbers<[1], [0], [0], [1], [0, 0, 1, 1], [], []>, transpose_lhs_hint = false} : vector<400x3xbf16>, vector<3x8192xbf16>, vector<400x8192xf32> -> vector<400x8192xf32>
    %add3A = vector.broadcast %broadcast_in_dim3A : vector<400x1xf32> to vector<400x8192xf32>
    %add3A_15 = vector.broadcast %reshape3A : vector<1x8192xf32> to vector<400x8192xf32>
    %add3A_16 = arith.addf %add3A, %add3A_15 : vector<400x8192xf32>
    %mul3A_17 = arith.constant 2.000000e+00 : f32
    %mul3A_18 = vector.broadcast %mul3A_17 : f32 to vector<400x8192xf32>
    %mul3A_19 = arith.mulf %mul3A_18, %dot_general3A_14 : vector<400x8192xf32>
    %sub3A = arith.subf %add3A_16, %mul3A_19 : vector<400x8192xf32>
    %slice3A = vector.extract_strided_slice %sub3A {offsets = [0, 0], sizes = [400, 4096], strides = [1, 1]} : vector<400x8192xf32> to vector<400x4096xf32>
    %slice3A_20 = vector.extract_strided_slice %sub3A {offsets = [0, 4096], sizes = [400, 4096], strides = [1, 1]} : vector<400x8192xf32> to vector<400x4096xf32>
    %iota3A = tpu.iota {dimensions = array<i32: 1>} : vector<400x4096xi32>
    %le3A = arith.cmpf ole, %slice3A, %slice3A_20 : vector<400x4096xf32>
    %select_n3A = arith.select %le3A, %slice3A, %slice3A_20 : vector<400x4096xi1>, vector<400x4096xf32>
    %add3A_21 = arith.constant 4096 : i32
    %add3A_22 = vector.broadcast %add3A_21 : i32 to vector<400x4096xi32>
    %add3A_23 = arith.addi %iota3A, %add3A_22 : vector<400x4096xi32>
    %select_n3A_24 = arith.select %le3A, %iota3A, %add3A_23 : vector<400x4096xi1>, vector<400x4096xi32>
    %select_n3A_25 = arith.select %le3A, %slice3A_20, %slice3A : vector<400x4096xi1>, vector<400x4096xf32>
    %add3A_26 = arith.constant 4096 : i32
    %add3A_27 = vector.broadcast %add3A_26 : i32 to vector<400x4096xi32>
    %add3A_28 = arith.addi %iota3A, %add3A_27 : vector<400x4096xi32>
    %select_n3A_29 = arith.select %le3A, %add3A_28, %iota3A : vector<400x4096xi1>, vector<400x4096xi32>
    %reduce_min3A = arith.constant dense<0x7F800000> : vector<400xf32>
    %reduce_min3A_30 = vector.multi_reduction <minimumf>, %select_n3A, %reduce_min3A [1] : vector<400x4096xf32> to vector<400xf32>
    %broadcast_in_dim3A_31 = vector.shape_cast %reduce_min3A_30 : vector<400xf32> to vector<400x1xf32>
    %eq3A = vector.broadcast %broadcast_in_dim3A_31 : vector<400x1xf32> to vector<400x4096xf32>
    %eq3A_32 = arith.cmpf oeq, %select_n3A, %eq3A : vector<400x4096xf32>
    %jit3A = arith.constant 8192 : i32
    %broadcast_in_dim3A_33 = vector.broadcast %jit3A : i32 to vector<400x4096xi32>
    %select_n3A_34 = arith.select %eq3A_32, %select_n3A_24, %broadcast_in_dim3A_33 : vector<400x4096xi1>, vector<400x4096xi32>
    %reduce_min3A_35 = arith.constant dense<2147483647> : vector<400xi32>
    %reduce_min3A_36 = vector.multi_reduction <minsi>, %select_n3A_34, %reduce_min3A_35 [1] : vector<400x4096xi32> to vector<400xi32>
    %broadcast_in_dim3A_37 = vector.shape_cast %reduce_min3A_36 : vector<400xi32> to vector<400x1xi32>
    %and3A = arith.constant 4095 : i32
    %and3A_38 = vector.broadcast %and3A : i32 to vector<400x1xi32>
    %and3A_39 = arith.andi %broadcast_in_dim3A_37, %and3A_38 : vector<400x1xi32>
    %le3A_40 = arith.constant 6.250000e-02 : f32
    %le3A_41 = vector.broadcast %le3A_40 : f32 to vector<400x1xf32>
    %le3A_42 = arith.cmpf ole, %broadcast_in_dim3A_31, %le3A_41 : vector<400x1xf32>
    %jit3A_43 = arith.constant -1 : i32
    %broadcast_in_dim3A_44 = vector.broadcast %jit3A_43 : i32 to vector<400x1xi32>
    %select_n3A_45 = arith.select %le3A_42, %broadcast_in_dim3A_37, %broadcast_in_dim3A_44 : vector<400x1xi1>, vector<400x1xi32>
    %squeeze3A = vector.shape_cast %select_n3A_45 : vector<400x1xi32> to vector<400xi32>
    %swap3A = arith.constant 0 : index
    %swap3A_46 = arith.constant 0 : index
    %swap3A_47 = vector.load %arg4[%swap3A, %swap3A_46] : memref<400x10xi32, #tpu.memory_space<vmem>>, vector<400x1xi32>
    %swap3A_48 = vector.shape_cast %swap3A_47 : vector<400x1xi32> to vector<400xi32>
    %swap3A_49 = vector.shape_cast %squeeze3A : vector<400xi32> to vector<400x1xi32>
    tpu.vector_store %arg4[%swap3A, %swap3A_46], %swap3A_49 {strides = array<i32>} : memref<400x10xi32, #tpu.memory_space<vmem>>, vector<400x1xi32>,
    %jit3A_50 = arith.constant 8192 : i32
    %broadcast_in_dim3A_51 = vector.broadcast %jit3A_50 : i32 to vector<400x1xi32>
    %select_n3A_52 = arith.select %le3A_42, %broadcast_in_dim3A_37, %broadcast_in_dim3A_51 : vector<400x1xi1>, vector<400x1xi32>
    %squeeze3A_53 = vector.shape_cast %select_n3A_52 : vector<400x1xi32> to vector<400xi32>
    %swap3A_54 = arith.constant 0 : index
    %swap3A_55 = arith.constant 0 : index
    %swap3A_56 = vector.load %arg5[%swap3A_54, %swap3A_55] : memref<400x10xi32, #tpu.memory_space<vmem>>, vector<400x1xi32>
    %swap3A_57 = vector.shape_cast %swap3A_56 : vector<400x1xi32> to vector<400xi32>
    %swap3A_58 = vector.shape_cast %squeeze3A_53 : vector<400xi32> to vector<400x1xi32>
    tpu.vector_store %arg5[%swap3A_54, %swap3A_55], %swap3A_58 {strides = array<i32>} : memref<400x10xi32, #tpu.memory_space<vmem>>, vector<400x1xi32>,
    %eq3A_59 = vector.broadcast %and3A_39 : vector<400x1xi32> to vector<400x4096xi32>
    %eq3A_60 = arith.cmpi eq, %iota3A, %eq3A_59 : vector<400x4096xi32>
    %select_n3A_61 = arith.select %eq3A_60, %select_n3A_25, %select_n3A : vector<400x4096xi1>, vector<400x4096xf32>
    %select_n3A_62 = arith.select %eq3A_60, %select_n3A_29, %select_n3A_24 : vector<400x4096xi1>, vector<400x4096xi32>
    %jit3A_63 = arith.constant 0x7F800000 : f32
    %broadcast_in_dim3A_64 = vector.broadcast %jit3A_63 : f32 to vector<400x4096xf32>
    %select_n3A_65 = arith.select %eq3A_60, %broadcast_in_dim3A_64, %select_n3A_25 : vector<400x4096xi1>, vector<400x4096xf32>
    %reduce_min3A_66 = arith.constant dense<0x7F800000> : vector<400xf32>
    %reduce_min3A_67 = vector.multi_reduction <minimumf>, %select_n3A_61, %reduce_min3A_66 [1] : vector<400x4096xf32> to vector<400xf32>
    %broadcast_in_dim3A_68 = vector.shape_cast %reduce_min3A_67 : vector<400xf32> to vector<400x1xf32>
    %eq3A_69 = vector.broadcast %broadcast_in_dim3A_68 : vector<400x1xf32> to vector<400x4096xf32>
    %eq3A_70 = arith.cmpf oeq, %select_n3A_61, %eq3A_69 : vector<400x4096xf32>
    %jit3A_71 = arith.constant 8192 : i32
    %broadcast_in_dim3A_72 = vector.broadcast %jit3A_71 : i32 to vector<400x4096xi32>
    %select_n3A_73 = arith.select %eq3A_70, %select_n3A_62, %broadcast_in_dim3A_72 : vector<400x4096xi1>, vector<400x4096xi32>
    %reduce_min3A_74 = arith.constant dense<2147483647> : vector<400xi32>
    %reduce_min3A_75 = vector.multi_reduction <minsi>, %select_n3A_73, %reduce_min3A_74 [1] : vector<400x4096xi32> to vector<400xi32>
    %broadcast_in_dim3A_76 = vector.shape_cast %reduce_min3A_75 : vector<400xi32> to vector<400x1xi32>
    %and3A_77 = arith.constant 4095 : i32
    %and3A_78 = vector.broadcast %and3A_77 : i32 to vector<400x1xi32>
    %and3A_79 = arith.andi %broadcast_in_dim3A_76, %and3A_78 : vector<400x1xi32>
    %le3A_80 = arith.constant 6.250000e-02 : f32
    %le3A_81 = vector.broadcast %le3A_80 : f32 to vector<400x1xf32>
    %le3A_82 = arith.cmpf ole, %broadcast_in_dim3A_68, %le3A_81 : vector<400x1xf32>
    %jit3A_83 = arith.constant -1 : i32
    %broadcast_in_dim3A_84 = vector.broadcast %jit3A_83 : i32 to vector<400x1xi32>
    %select_n3A_85 = arith.select %le3A_82, %broadcast_in_dim3A_76, %broadcast_in_dim3A_84 : vector<400x1xi1>, vector<400x1xi32>
    %squeeze3A_86 = vector.shape_cast %select_n3A_85 : vector<400x1xi32> to vector<400xi32>
    %swap3A_87 = arith.constant 0 : index
    %swap3A_88 = arith.constant 1 : index
    %swap3A_89 = vector.load %arg4[%swap3A_87, %swap3A_88] : memref<400x10xi32, #tpu.memory_space<vmem>>, vector<400x1xi32>
    %swap3A_90 = vector.shape_cast %swap3A_89 : vector<400x1xi32> to vector<400xi32>
    %swap3A_91 = vector.shape_cast %squeeze3A_86 : vector<400xi32> to vector<400x1xi32>
    tpu.vector_store %arg4[%swap3A_87, %swap3A_88], %swap3A_91 {strides = array<i32>} : memref<400x10xi32, #tpu.memory_space<vmem>>, vector<400x1xi32>,
    %jit3A_92 = arith.constant 8192 : i32
    %broadcast_in_dim3A_93 = vector.broadcast %jit3A_92 : i32 to vector<400x1xi32>
    %select_n3A_94 = arith.select %le3A_82, %broadcast_in_dim3A_76, %broadcast_in_dim3A_93 : vector<400x1xi1>, vector<400x1xi32>
    %squeeze3A_95 = vector.shape_cast %select_n3A_94 : vector<400x1xi32> to vector<400xi32>
    %swap3A_96 = arith.constant 0 : index
    %swap3A_97 = arith.constant 1 : index
    %swap3A_98 = vector.load %arg5[%swap3A_96, %swap3A_97] : memref<400x10xi32, #tpu.memory_space<vmem>>, vector<400x1xi32>
    %swap3A_99 = vector.shape_cast %swap3A_98 : vector<400x1xi32> to vector<400xi32>
    %swap3A_100 = vector.shape_cast %squeeze3A_95 : vector<400xi32> to vector<400x1xi32>
    tpu.vector_store %arg5[%swap3A_96, %swap3A_97], %swap3A_100 {strides = array<i32>} : memref<400x10xi32, #tpu.memory_space<vmem>>, vector<400x1xi32>,
    %eq3A_101 = vector.broadcast %and3A_79 : vector<400x1xi32> to vector<400x4096xi32>
    %eq3A_102 = arith.cmpi eq, %iota3A, %eq3A_101 : vector<400x4096xi32>
    %select_n3A_103 = arith.select %eq3A_102, %select_n3A_65, %select_n3A_61 : vector<400x4096xi1>, vector<400x4096xf32>
    %select_n3A_104 = arith.select %eq3A_102, %select_n3A_29, %select_n3A_62 : vector<400x4096xi1>, vector<400x4096xi32>
    %jit3A_105 = arith.constant 0x7F800000 : f32
    %broadcast_in_dim3A_106 = vector.broadcast %jit3A_105 : f32 to vector<400x4096xf32>
    %select_n3A_107 = arith.select %eq3A_102, %broadcast_in_dim3A_106, %select_n3A_65 : vector<400x4096xi1>, vector<400x4096xf32>
    %reduce_min3A_108 = arith.constant dense<0x7F800000> : vector<400xf32>
    %reduce_min3A_109 = vector.multi_reduction <minimumf>, %select_n3A_103, %reduce_min3A_108 [1] : vector<400x4096xf32> to vector<400xf32>
    %broadcast_in_dim3A_110 = vector.shape_cast %reduce_min3A_109 : vector<400xf32> to vector<400x1xf32>
    %eq3A_111 = vector.broadcast %broadcast_in_dim3A_110 : vector<400x1xf32> to vector<400x4096xf32>
    %eq3A_112 = arith.cmpf oeq, %select_n3A_103, %eq3A_111 : vector<400x4096xf32>
    %jit3A_113 = arith.constant 8192 : i32
    %broadcast_in_dim3A_114 = vector.broadcast %jit3A_113 : i32 to vector<400x4096xi32>
    %select_n3A_115 = arith.select %eq3A_112, %select_n3A_104, %broadcast_in_dim3A_114 : vector<400x4096xi1>, vector<400x4096xi32>
    %reduce_min3A_116 = arith.constant dense<2147483647> : vector<400xi32>
    %reduce_min3A_117 = vector.multi_reduction <minsi>, %select_n3A_115, %reduce_min3A_116 [1] : vector<400x4096xi32> to vector<400xi32>
    %broadcast_in_dim3A_118 = vector.shape_cast %reduce_min3A_117 : vector<400xi32> to vector<400x1xi32>
    %and3A_119 = arith.constant 4095 : i32
    %and3A_120 = vector.broadcast %and3A_119 : i32 to vector<400x1xi32>
    %and3A_121 = arith.andi %broadcast_in_dim3A_118, %and3A_120 : vector<400x1xi32>
    %le3A_122 = arith.constant 6.250000e-02 : f32
    %le3A_123 = vector.broadcast %le3A_122 : f32 to vector<400x1xf32>
    %le3A_124 = arith.cmpf ole, %broadcast_in_dim3A_110, %le3A_123 : vector<400x1xf32>
    %jit3A_125 = arith.constant -1 : i32
    %broadcast_in_dim3A_126 = vector.broadcast %jit3A_125 : i32 to vector<400x1xi32>
    %select_n3A_127 = arith.select %le3A_124, %broadcast_in_dim3A_118, %broadcast_in_dim3A_126 : vector<400x1xi1>, vector<400x1xi32>
    %squeeze3A_128 = vector.shape_cast %select_n3A_127 : vector<400x1xi32> to vector<400xi32>
    %swap3A_129 = arith.constant 0 : index
    %swap3A_130 = arith.constant 2 : index
    %swap3A_131 = vector.load %arg4[%swap3A_129, %swap3A_130] : memref<400x10xi32, #tpu.memory_space<vmem>>, vector<400x1xi32>
    %swap3A_132 = vector.shape_cast %swap3A_131 : vector<400x1xi32> to vector<400xi32>
    %swap3A_133 = vector.shape_cast %squeeze3A_128 : vector<400xi32> to vector<400x1xi32>
    tpu.vector_store %arg4[%swap3A_129, %swap3A_130], %swap3A_133 {strides = array<i32>} : memref<400x10xi32, #tpu.memory_space<vmem>>, vector<400x1xi32>,
    %jit3A_134 = arith.constant 8192 : i32
    %broadcast_in_dim3A_135 = vector.broadcast %jit3A_134 : i32 to vector<400x1xi32>
    %select_n3A_136 = arith.select %le3A_124, %broadcast_in_dim3A_118, %broadcast_in_dim3A_135 : vector<400x1xi1>, vector<400x1xi32>
    %squeeze3A_137 = vector.shape_cast %select_n3A_136 : vector<400x1xi32> to vector<400xi32>
    %swap3A_138 = arith.constant 0 : index
    %swap3A_139 = arith.constant 2 : index
    %swap3A_140 = vector.load %arg5[%swap3A_138, %swap3A_139] : memref<400x10xi32, #tpu.memory_space<vmem>>, vector<400x1xi32>
    %swap3A_141 = vector.shape_cast %swap3A_140 : vector<400x1xi32> to vector<400xi32>
    %swap3A_142 = vector.shape_cast %squeeze3A_137 : vector<400xi32> to vector<400x1xi32>
    tpu.vector_store %arg5[%swap3A_138, %swap3A_139], %swap3A_142 {strides = array<i32>} : memref<400x10xi32, #tpu.memory_space<vmem>>, vector<400x1xi32>,
    %eq3A_143 = vector.broadcast %and3A_121 : vector<400x1xi32> to vector<400x4096xi32>
    %eq3A_144 = arith.cmpi eq, %iota3A, %eq3A_143 : vector<400x4096xi32>
    %select_n3A_145 = arith.select %eq3A_144, %select_n3A_107, %select_n3A_103 : vector<400x4096xi1>, vector<400x4096xf32>
    %select_n3A_146 = arith.select %eq3A_144, %select_n3A_29, %select_n3A_104 : vector<400x4096xi1>, vector<400x4096xi32>
    %jit3A_147 = arith.constant 0x7F800000 : f32
    %broadcast_in_dim3A_148 = vector.broadcast %jit3A_147 : f32 to vector<400x4096xf32>
    %select_n3A_149 = arith.select %eq3A_144, %broadcast_in_dim3A_148, %select_n3A_107 : vector<400x4096xi1>, vector<400x4096xf32>
    %reduce_min3A_150 = arith.constant dense<0x7F800000> : vector<400xf32>
    %reduce_min3A_151 = vector.multi_reduction <minimumf>, %select_n3A_145, %reduce_min3A_150 [1] : vector<400x4096xf32> to vector<400xf32>
    %broadcast_in_dim3A_152 = vector.shape_cast %reduce_min3A_151 : vector<400xf32> to vector<400x1xf32>
    %eq3A_153 = vector.broadcast %broadcast_in_dim3A_152 : vector<400x1xf32> to vector<400x4096xf32>
    %eq3A_154 = arith.cmpf oeq, %select_n3A_145, %eq3A_153 : vector<400x4096xf32>
    %jit3A_155 = arith.constant 8192 : i32
    %broadcast_in_dim3A_156 = vector.broadcast %jit3A_155 : i32 to vector<400x4096xi32>
    %select_n3A_157 = arith.select %eq3A_154, %select_n3A_146, %broadcast_in_dim3A_156 : vector<400x4096xi1>, vector<400x4096xi32>
    %reduce_min3A_158 = arith.constant dense<2147483647> : vector<400xi32>
    %reduce_min3A_159 = vector.multi_reduction <minsi>, %select_n3A_157, %reduce_min3A_158 [1] : vector<400x4096xi32> to vector<400xi32>
    %broadcast_in_dim3A_160 = vector.shape_cast %reduce_min3A_159 : vector<400xi32> to vector<400x1xi32>
    %and3A_161 = arith.constant 4095 : i32
    %and3A_162 = vector.broadcast %and3A_161 : i32 to vector<400x1xi32>
    %and3A_163 = arith.andi %broadcast_in_dim3A_160, %and3A_162 : vector<400x1xi32>
    %le3A_164 = arith.constant 6.250000e-02 : f32
    %le3A_165 = vector.broadcast %le3A_164 : f32 to vector<400x1xf32>
    %le3A_166 = arith.cmpf ole, %broadcast_in_dim3A_152, %le3A_165 : vector<400x1xf32>
    %jit3A_167 = arith.constant -1 : i32
    %broadcast_in_dim3A_168 = vector.broadcast %jit3A_167 : i32 to vector<400x1xi32>
    %select_n3A_169 = arith.select %le3A_166, %broadcast_in_dim3A_160, %broadcast_in_dim3A_168 : vector<400x1xi1>, vector<400x1xi32>
    %squeeze3A_170 = vector.shape_cast %select_n3A_169 : vector<400x1xi32> to vector<400xi32>
    %swap3A_171 = arith.constant 0 : index
    %swap3A_172 = arith.constant 3 : index
    %swap3A_173 = vector.load %arg4[%swap3A_171, %swap3A_172] : memref<400x10xi32, #tpu.memory_space<vmem>>, vector<400x1xi32>
    %swap3A_174 = vector.shape_cast %swap3A_173 : vector<400x1xi32> to vector<400xi32>
    %swap3A_175 = vector.shape_cast %squeeze3A_170 : vector<400xi32> to vector<400x1xi32>
    tpu.vector_store %arg4[%swap3A_171, %swap3A_172], %swap3A_175 {strides = array<i32>} : memref<400x10xi32, #tpu.memory_space<vmem>>, vector<400x1xi32>,
    %jit3A_176 = arith.constant 8192 : i32
    %broadcast_in_dim3A_177 = vector.broadcast %jit3A_176 : i32 to vector<400x1xi32>
    %select_n3A_178 = arith.select %le3A_166, %broadcast_in_dim3A_160, %broadcast_in_dim3A_177 : vector<400x1xi1>, vector<400x1xi32>
    %squeeze3A_179 = vector.shape_cast %select_n3A_178 : vector<400x1xi32> to vector<400xi32>
    %swap3A_180 = arith.constant 0 : index
    %swap3A_181 = arith.constant 3 : index
    %swap3A_182 = vector.load %arg5[%swap3A_180, %swap3A_181] : memref<400x10xi32, #tpu.memory_space<vmem>>, vector<400x1xi32>
    %swap3A_183 = vector.shape_cast %swap3A_182 : vector<400x1xi32> to vector<400xi32>
    %swap3A_184 = vector.shape_cast %squeeze3A_179 : vector<400xi32> to vector<400x1xi32>
    tpu.vector_store %arg5[%swap3A_180, %swap3A_181], %swap3A_184 {strides = array<i32>} : memref<400x10xi32, #tpu.memory_space<vmem>>, vector<400x1xi32>,
    %eq3A_185 = vector.broadcast %and3A_163 : vector<400x1xi32> to vector<400x4096xi32>
    %eq3A_186 = arith.cmpi eq, %iota3A, %eq3A_185 : vector<400x4096xi32>
    %select_n3A_187 = arith.select %eq3A_186, %select_n3A_149, %select_n3A_145 : vector<400x4096xi1>, vector<400x4096xf32>
    %select_n3A_188 = arith.select %eq3A_186, %select_n3A_29, %select_n3A_146 : vector<400x4096xi1>, vector<400x4096xi32>
    %jit3A_189 = arith.constant 0x7F800000 : f32
    %broadcast_in_dim3A_190 = vector.broadcast %jit3A_189 : f32 to vector<400x4096xf32>
    %select_n3A_191 = arith.select %eq3A_186, %broadcast_in_dim3A_190, %select_n3A_149 : vector<400x4096xi1>, vector<400x4096xf32>
    %reduce_min3A_192 = arith.constant dense<0x7F800000> : vector<400xf32>
    %reduce_min3A_193 = vector.multi_reduction <minimumf>, %select_n3A_187, %reduce_min3A_192 [1] : vector<400x4096xf32> to vector<400xf32>
    %broadcast_in_dim3A_194 = vector.shape_cast %reduce_min3A_193 : vector<400xf32> to vector<400x1xf32>
    %eq3A_195 = vector.broadcast %broadcast_in_dim3A_194 : vector<400x1xf32> to vector<400x4096xf32>
    %eq3A_196 = arith.cmpf oeq, %select_n3A_187, %eq3A_195 : vector<400x4096xf32>
    %jit3A_197 = arith.constant 8192 : i32
    %broadcast_in_dim3A_198 = vector.broadcast %jit3A_197 : i32 to vector<400x4096xi32>
    %select_n3A_199 = arith.select %eq3A_196, %select_n3A_188, %broadcast_in_dim3A_198 : vector<400x4096xi1>, vector<400x4096xi32>
    %reduce_min3A_200 = arith.constant dense<2147483647> : vector<400xi32>
    %reduce_min3A_201 = vector.multi_reduction <minsi>, %select_n3A_199, %reduce_min3A_200 [1] : vector<400x4096xi32> to vector<400xi32>
    %broadcast_in_dim3A_202 = vector.shape_cast %reduce_min3A_201 : vector<400xi32> to vector<400x1xi32>
    %and3A_203 = arith.constant 4095 : i32
    %and3A_204 = vector.broadcast %and3A_203 : i32 to vector<400x1xi32>
    %and3A_205 = arith.andi %broadcast_in_dim3A_202, %and3A_204 : vector<400x1xi32>
    %le3A_206 = arith.constant 6.250000e-02 : f32
    %le3A_207 = vector.broadcast %le3A_206 : f32 to vector<400x1xf32>
    %le3A_208 = arith.cmpf ole, %broadcast_in_dim3A_194, %le3A_207 : vector<400x1xf32>
    %jit3A_209 = arith.constant -1 : i32
    %broadcast_in_dim3A_210 = vector.broadcast %jit3A_209 : i32 to vector<400x1xi32>
    %select_n3A_211 = arith.select %le3A_208, %broadcast_in_dim3A_202, %broadcast_in_dim3A_210 : vector<400x1xi1>, vector<400x1xi32>
    %squeeze3A_212 = vector.shape_cast %select_n3A_211 : vector<400x1xi32> to vector<400xi32>
    %swap3A_213 = arith.constant 0 : index
    %swap3A_214 = arith.constant 4 : index
    %swap3A_215 = vector.load %arg4[%swap3A_213, %swap3A_214] : memref<400x10xi32, #tpu.memory_space<vmem>>, vector<400x1xi32>
    %swap3A_216 = vector.shape_cast %swap3A_215 : vector<400x1xi32> to vector<400xi32>
    %swap3A_217 = vector.shape_cast %squeeze3A_212 : vector<400xi32> to vector<400x1xi32>
    tpu.vector_store %arg4[%swap3A_213, %swap3A_214], %swap3A_217 {strides = array<i32>} : memref<400x10xi32, #tpu.memory_space<vmem>>, vector<400x1xi32>,
    %jit3A_218 = arith.constant 8192 : i32
    %broadcast_in_dim3A_219 = vector.broadcast %jit3A_218 : i32 to vector<400x1xi32>
    %select_n3A_220 = arith.select %le3A_208, %broadcast_in_dim3A_202, %broadcast_in_dim3A_219 : vector<400x1xi1>, vector<400x1xi32>
    %squeeze3A_221 = vector.shape_cast %select_n3A_220 : vector<400x1xi32> to vector<400xi32>
    %swap3A_222 = arith.constant 0 : index
    %swap3A_223 = arith.constant 4 : index
    %swap3A_224 = vector.load %arg5[%swap3A_222, %swap3A_223] : memref<400x10xi32, #tpu.memory_space<vmem>>, vector<400x1xi32>
    %swap3A_225 = vector.shape_cast %swap3A_224 : vector<400x1xi32> to vector<400xi32>
    %swap3A_226 = vector.shape_cast %squeeze3A_221 : vector<400xi32> to vector<400x1xi32>
    tpu.vector_store %arg5[%swap3A_222, %swap3A_223], %swap3A_226 {strides = array<i32>} : memref<400x10xi32, #tpu.memory_space<vmem>>, vector<400x1xi32>,
    %eq3A_227 = vector.broadcast %and3A_205 : vector<400x1xi32> to vector<400x4096xi32>
    %eq3A_228 = arith.cmpi eq, %iota3A, %eq3A_227 : vector<400x4096xi32>
    %select_n3A_229 = arith.select %eq3A_228, %select_n3A_191, %select_n3A_187 : vector<400x4096xi1>, vector<400x4096xf32>
    %select_n3A_230 = arith.select %eq3A_228, %select_n3A_29, %select_n3A_188 : vector<400x4096xi1>, vector<400x4096xi32>
    %jit3A_231 = arith.constant 0x7F800000 : f32
    %broadcast_in_dim3A_232 = vector.broadcast %jit3A_231 : f32 to vector<400x4096xf32>
    %select_n3A_233 = arith.select %eq3A_228, %broadcast_in_dim3A_232, %select_n3A_191 : vector<400x4096xi1>, vector<400x4096xf32>
    %reduce_min3A_234 = arith.constant dense<0x7F800000> : vector<400xf32>
    %reduce_min3A_235 = vector.multi_reduction <minimumf>, %select_n3A_229, %reduce_min3A_234 [1] : vector<400x4096xf32> to vector<400xf32>
    %broadcast_in_dim3A_236 = vector.shape_cast %reduce_min3A_235 : vector<400xf32> to vector<400x1xf32>
    %eq3A_237 = vector.broadcast %broadcast_in_dim3A_236 : vector<400x1xf32> to vector<400x4096xf32>
    %eq3A_238 = arith.cmpf oeq, %select_n3A_229, %eq3A_237 : vector<400x4096xf32>
    %jit3A_239 = arith.constant 8192 : i32
    %broadcast_in_dim3A_240 = vector.broadcast %jit3A_239 : i32 to vector<400x4096xi32>
    %select_n3A_241 = arith.select %eq3A_238, %select_n3A_230, %broadcast_in_dim3A_240 : vector<400x4096xi1>, vector<400x4096xi32>
    %reduce_min3A_242 = arith.constant dense<2147483647> : vector<400xi32>
    %reduce_min3A_243 = vector.multi_reduction <minsi>, %select_n3A_241, %reduce_min3A_242 [1] : vector<400x4096xi32> to vector<400xi32>
    %broadcast_in_dim3A_244 = vector.shape_cast %reduce_min3A_243 : vector<400xi32> to vector<400x1xi32>
    %and3A_245 = arith.constant 4095 : i32
    %and3A_246 = vector.broadcast %and3A_245 : i32 to vector<400x1xi32>
    %and3A_247 = arith.andi %broadcast_in_dim3A_244, %and3A_246 : vector<400x1xi32>
    %le3A_248 = arith.constant 6.250000e-02 : f32
    %le3A_249 = vector.broadcast %le3A_248 : f32 to vector<400x1xf32>
    %le3A_250 = arith.cmpf ole, %broadcast_in_dim3A_236, %le3A_249 : vector<400x1xf32>
    %jit3A_251 = arith.constant -1 : i32
    %broadcast_in_dim3A_252 = vector.broadcast %jit3A_251 : i32 to vector<400x1xi32>
    %select_n3A_253 = arith.select %le3A_250, %broadcast_in_dim3A_244, %broadcast_in_dim3A_252 : vector<400x1xi1>, vector<400x1xi32>
    %squeeze3A_254 = vector.shape_cast %select_n3A_253 : vector<400x1xi32> to vector<400xi32>
    %swap3A_255 = arith.constant 0 : index
    %swap3A_256 = arith.constant 5 : index
    %swap3A_257 = vector.load %arg4[%swap3A_255, %swap3A_256] : memref<400x10xi32, #tpu.memory_space<vmem>>, vector<400x1xi32>
    %swap3A_258 = vector.shape_cast %swap3A_257 : vector<400x1xi32> to vector<400xi32>
    %swap3A_259 = vector.shape_cast %squeeze3A_254 : vector<400xi32> to vector<400x1xi32>
    tpu.vector_store %arg4[%swap3A_255, %swap3A_256], %swap3A_259 {strides = array<i32>} : memref<400x10xi32, #tpu.memory_space<vmem>>, vector<400x1xi32>,
    %jit3A_260 = arith.constant 8192 : i32
    %broadcast_in_dim3A_261 = vector.broadcast %jit3A_260 : i32 to vector<400x1xi32>
    %select_n3A_262 = arith.select %le3A_250, %broadcast_in_dim3A_244, %broadcast_in_dim3A_261 : vector<400x1xi1>, vector<400x1xi32>
    %squeeze3A_263 = vector.shape_cast %select_n3A_262 : vector<400x1xi32> to vector<400xi32>
    %swap3A_264 = arith.constant 0 : index
    %swap3A_265 = arith.constant 5 : index
    %swap3A_266 = vector.load %arg5[%swap3A_264, %swap3A_265] : memref<400x10xi32, #tpu.memory_space<vmem>>, vector<400x1xi32>
    %swap3A_267 = vector.shape_cast %swap3A_266 : vector<400x1xi32> to vector<400xi32>
    %swap3A_268 = vector.shape_cast %squeeze3A_263 : vector<400xi32> to vector<400x1xi32>
    tpu.vector_store %arg5[%swap3A_264, %swap3A_265], %swap3A_268 {strides = array<i32>} : memref<400x10xi32, #tpu.memory_space<vmem>>, vector<400x1xi32>,
    %eq3A_269 = vector.broadcast %and3A_247 : vector<400x1xi32> to vector<400x4096xi32>
    %eq3A_270 = arith.cmpi eq, %iota3A, %eq3A_269 : vector<400x4096xi32>
    %select_n3A_271 = arith.select %eq3A_270, %select_n3A_233, %select_n3A_229 : vector<400x4096xi1>, vector<400x4096xf32>
    %select_n3A_272 = arith.select %eq3A_270, %select_n3A_29, %select_n3A_230 : vector<400x4096xi1>, vector<400x4096xi32>
    %jit3A_273 = arith.constant 0x7F800000 : f32
    %broadcast_in_dim3A_274 = vector.broadcast %jit3A_273 : f32 to vector<400x4096xf32>
    %select_n3A_275 = arith.select %eq3A_270, %broadcast_in_dim3A_274, %select_n3A_233 : vector<400x4096xi1>, vector<400x4096xf32>
    %reduce_min3A_276 = arith.constant dense<0x7F800000> : vector<400xf32>
    %reduce_min3A_277 = vector.multi_reduction <minimumf>, %select_n3A_271, %reduce_min3A_276 [1] : vector<400x4096xf32> to vector<400xf32>
    %broadcast_in_dim3A_278 = vector.shape_cast %reduce_min3A_277 : vector<400xf32> to vector<400x1xf32>
    %eq3A_279 = vector.broadcast %broadcast_in_dim3A_278 : vector<400x1xf32> to vector<400x4096xf32>
    %eq3A_280 = arith.cmpf oeq, %select_n3A_271, %eq3A_279 : vector<400x4096xf32>
    %jit3A_281 = arith.constant 8192 : i32
    %broadcast_in_dim3A_282 = vector.broadcast %jit3A_281 : i32 to vector<400x4096xi32>
    %select_n3A_283 = arith.select %eq3A_280, %select_n3A_272, %broadcast_in_dim3A_282 : vector<400x4096xi1>, vector<400x4096xi32>
    %reduce_min3A_284 = arith.constant dense<2147483647> : vector<400xi32>
    %reduce_min3A_285 = vector.multi_reduction <minsi>, %select_n3A_283, %reduce_min3A_284 [1] : vector<400x4096xi32> to vector<400xi32>
    %broadcast_in_dim3A_286 = vector.shape_cast %reduce_min3A_285 : vector<400xi32> to vector<400x1xi32>
    %and3A_287 = arith.constant 4095 : i32
    %and3A_288 = vector.broadcast %and3A_287 : i32 to vector<400x1xi32>
    %and3A_289 = arith.andi %broadcast_in_dim3A_286, %and3A_288 : vector<400x1xi32>
    %le3A_290 = arith.constant 6.250000e-02 : f32
    %le3A_291 = vector.broadcast %le3A_290 : f32 to vector<400x1xf32>
    %le3A_292 = arith.cmpf ole, %broadcast_in_dim3A_278, %le3A_291 : vector<400x1xf32>
    %jit3A_293 = arith.constant -1 : i32
    %broadcast_in_dim3A_294 = vector.broadcast %jit3A_293 : i32 to vector<400x1xi32>
    %select_n3A_295 = arith.select %le3A_292, %broadcast_in_dim3A_286, %broadcast_in_dim3A_294 : vector<400x1xi1>, vector<400x1xi32>
    %squeeze3A_296 = vector.shape_cast %select_n3A_295 : vector<400x1xi32> to vector<400xi32>
    %swap3A_297 = arith.constant 0 : index
    %swap3A_298 = arith.constant 6 : index
    %swap3A_299 = vector.load %arg4[%swap3A_297, %swap3A_298] : memref<400x10xi32, #tpu.memory_space<vmem>>, vector<400x1xi32>
    %swap3A_300 = vector.shape_cast %swap3A_299 : vector<400x1xi32> to vector<400xi32>
    %swap3A_301 = vector.shape_cast %squeeze3A_296 : vector<400xi32> to vector<400x1xi32>
    tpu.vector_store %arg4[%swap3A_297, %swap3A_298], %swap3A_301 {strides = array<i32>} : memref<400x10xi32, #tpu.memory_space<vmem>>, vector<400x1xi32>,
    %jit3A_302 = arith.constant 8192 : i32
    %broadcast_in_dim3A_303 = vector.broadcast %jit3A_302 : i32 to vector<400x1xi32>
    %select_n3A_304 = arith.select %le3A_292, %broadcast_in_dim3A_286, %broadcast_in_dim3A_303 : vector<400x1xi1>, vector<400x1xi32>
    %squeeze3A_305 = vector.shape_cast %select_n3A_304 : vector<400x1xi32> to vector<400xi32>
    %swap3A_306 = arith.constant 0 : index
    %swap3A_307 = arith.constant 6 : index
    %swap3A_308 = vector.load %arg5[%swap3A_306, %swap3A_307] : memref<400x10xi32, #tpu.memory_space<vmem>>, vector<400x1xi32>
    %swap3A_309 = vector.shape_cast %swap3A_308 : vector<400x1xi32> to vector<400xi32>
    %swap3A_310 = vector.shape_cast %squeeze3A_305 : vector<400xi32> to vector<400x1xi32>
    tpu.vector_store %arg5[%swap3A_306, %swap3A_307], %swap3A_310 {strides = array<i32>} : memref<400x10xi32, #tpu.memory_space<vmem>>, vector<400x1xi32>,
    %eq3A_311 = vector.broadcast %and3A_289 : vector<400x1xi32> to vector<400x4096xi32>
    %eq3A_312 = arith.cmpi eq, %iota3A, %eq3A_311 : vector<400x4096xi32>
    %select_n3A_313 = arith.select %eq3A_312, %select_n3A_275, %select_n3A_271 : vector<400x4096xi1>, vector<400x4096xf32>
    %select_n3A_314 = arith.select %eq3A_312, %select_n3A_29, %select_n3A_272 : vector<400x4096xi1>, vector<400x4096xi32>
    %jit3A_315 = arith.constant 0x7F800000 : f32
    %broadcast_in_dim3A_316 = vector.broadcast %jit3A_315 : f32 to vector<400x4096xf32>
    %select_n3A_317 = arith.select %eq3A_312, %broadcast_in_dim3A_316, %select_n3A_275 : vector<400x4096xi1>, vector<400x4096xf32>
    %reduce_min3A_318 = arith.constant dense<0x7F800000> : vector<400xf32>
    %reduce_min3A_319 = vector.multi_reduction <minimumf>, %select_n3A_313, %reduce_min3A_318 [1] : vector<400x4096xf32> to vector<400xf32>
    %broadcast_in_dim3A_320 = vector.shape_cast %reduce_min3A_319 : vector<400xf32> to vector<400x1xf32>
    %eq3A_321 = vector.broadcast %broadcast_in_dim3A_320 : vector<400x1xf32> to vector<400x4096xf32>
    %eq3A_322 = arith.cmpf oeq, %select_n3A_313, %eq3A_321 : vector<400x4096xf32>
    %jit3A_323 = arith.constant 8192 : i32
    %broadcast_in_dim3A_324 = vector.broadcast %jit3A_323 : i32 to vector<400x4096xi32>
    %select_n3A_325 = arith.select %eq3A_322, %select_n3A_314, %broadcast_in_dim3A_324 : vector<400x4096xi1>, vector<400x4096xi32>
    %reduce_min3A_326 = arith.constant dense<2147483647> : vector<400xi32>
    %reduce_min3A_327 = vector.multi_reduction <minsi>, %select_n3A_325, %reduce_min3A_326 [1] : vector<400x4096xi32> to vector<400xi32>
    %broadcast_in_dim3A_328 = vector.shape_cast %reduce_min3A_327 : vector<400xi32> to vector<400x1xi32>
    %and3A_329 = arith.constant 4095 : i32
    %and3A_330 = vector.broadcast %and3A_329 : i32 to vector<400x1xi32>
    %and3A_331 = arith.andi %broadcast_in_dim3A_328, %and3A_330 : vector<400x1xi32>
    %le3A_332 = arith.constant 6.250000e-02 : f32
    %le3A_333 = vector.broadcast %le3A_332 : f32 to vector<400x1xf32>
    %le3A_334 = arith.cmpf ole, %broadcast_in_dim3A_320, %le3A_333 : vector<400x1xf32>
    %jit3A_335 = arith.constant -1 : i32
    %broadcast_in_dim3A_336 = vector.broadcast %jit3A_335 : i32 to vector<400x1xi32>
    %select_n3A_337 = arith.select %le3A_334, %broadcast_in_dim3A_328, %broadcast_in_dim3A_336 : vector<400x1xi1>, vector<400x1xi32>
    %squeeze3A_338 = vector.shape_cast %select_n3A_337 : vector<400x1xi32> to vector<400xi32>
    %swap3A_339 = arith.constant 0 : index
    %swap3A_340 = arith.constant 7 : index
    %swap3A_341 = vector.load %arg4[%swap3A_339, %swap3A_340] : memref<400x10xi32, #tpu.memory_space<vmem>>, vector<400x1xi32>
    %swap3A_342 = vector.shape_cast %swap3A_341 : vector<400x1xi32> to vector<400xi32>
    %swap3A_343 = vector.shape_cast %squeeze3A_338 : vector<400xi32> to vector<400x1xi32>
    tpu.vector_store %arg4[%swap3A_339, %swap3A_340], %swap3A_343 {strides = array<i32>} : memref<400x10xi32, #tpu.memory_space<vmem>>, vector<400x1xi32>,
    %jit3A_344 = arith.constant 8192 : i32
    %broadcast_in_dim3A_345 = vector.broadcast %jit3A_344 : i32 to vector<400x1xi32>
    %select_n3A_346 = arith.select %le3A_334, %broadcast_in_dim3A_328, %broadcast_in_dim3A_345 : vector<400x1xi1>, vector<400x1xi32>
    %squeeze3A_347 = vector.shape_cast %select_n3A_346 : vector<400x1xi32> to vector<400xi32>
    %swap3A_348 = arith.constant 0 : index
    %swap3A_349 = arith.constant 7 : index
    %swap3A_350 = vector.load %arg5[%swap3A_348, %swap3A_349] : memref<400x10xi32, #tpu.memory_space<vmem>>, vector<400x1xi32>
    %swap3A_351 = vector.shape_cast %swap3A_350 : vector<400x1xi32> to vector<400xi32>
    %swap3A_352 = vector.shape_cast %squeeze3A_347 : vector<400xi32> to vector<400x1xi32>
    tpu.vector_store %arg5[%swap3A_348, %swap3A_349], %swap3A_352 {strides = array<i32>} : memref<400x10xi32, #tpu.memory_space<vmem>>, vector<400x1xi32>,
    %eq3A_353 = vector.broadcast %and3A_331 : vector<400x1xi32> to vector<400x4096xi32>
    %eq3A_354 = arith.cmpi eq, %iota3A, %eq3A_353 : vector<400x4096xi32>
    %select_n3A_355 = arith.select %eq3A_354, %select_n3A_317, %select_n3A_313 : vector<400x4096xi1>, vector<400x4096xf32>
    %select_n3A_356 = arith.select %eq3A_354, %select_n3A_29, %select_n3A_314 : vector<400x4096xi1>, vector<400x4096xi32>
    %jit3A_357 = arith.constant 0x7F800000 : f32
    %broadcast_in_dim3A_358 = vector.broadcast %jit3A_357 : f32 to vector<400x4096xf32>
    %select_n3A_359 = arith.select %eq3A_354, %broadcast_in_dim3A_358, %select_n3A_317 : vector<400x4096xi1>, vector<400x4096xf32>
    %reduce_min3A_360 = arith.constant dense<0x7F800000> : vector<400xf32>
    %reduce_min3A_361 = vector.multi_reduction <minimumf>, %select_n3A_355, %reduce_min3A_360 [1] : vector<400x4096xf32> to vector<400xf32>
    %broadcast_in_dim3A_362 = vector.shape_cast %reduce_min3A_361 : vector<400xf32> to vector<400x1xf32>
    %eq3A_363 = vector.broadcast %broadcast_in_dim3A_362 : vector<400x1xf32> to vector<400x4096xf32>
    %eq3A_364 = arith.cmpf oeq, %select_n3A_355, %eq3A_363 : vector<400x4096xf32>
    %jit3A_365 = arith.constant 8192 : i32
    %broadcast_in_dim3A_366 = vector.broadcast %jit3A_365 : i32 to vector<400x4096xi32>
    %select_n3A_367 = arith.select %eq3A_364, %select_n3A_356, %broadcast_in_dim3A_366 : vector<400x4096xi1>, vector<400x4096xi32>
    %reduce_min3A_368 = arith.constant dense<2147483647> : vector<400xi32>
    %reduce_min3A_369 = vector.multi_reduction <minsi>, %select_n3A_367, %reduce_min3A_368 [1] : vector<400x4096xi32> to vector<400xi32>
    %broadcast_in_dim3A_370 = vector.shape_cast %reduce_min3A_369 : vector<400xi32> to vector<400x1xi32>
    %and3A_371 = arith.constant 4095 : i32
    %and3A_372 = vector.broadcast %and3A_371 : i32 to vector<400x1xi32>
    %and3A_373 = arith.andi %broadcast_in_dim3A_370, %and3A_372 : vector<400x1xi32>
    %le3A_374 = arith.constant 6.250000e-02 : f32
    %le3A_375 = vector.broadcast %le3A_374 : f32 to vector<400x1xf32>
    %le3A_376 = arith.cmpf ole, %broadcast_in_dim3A_362, %le3A_375 : vector<400x1xf32>
    %jit3A_377 = arith.constant -1 : i32
    %broadcast_in_dim3A_378 = vector.broadcast %jit3A_377 : i32 to vector<400x1xi32>
    %select_n3A_379 = arith.select %le3A_376, %broadcast_in_dim3A_370, %broadcast_in_dim3A_378 : vector<400x1xi1>, vector<400x1xi32>
    %squeeze3A_380 = vector.shape_cast %select_n3A_379 : vector<400x1xi32> to vector<400xi32>
    %swap3A_381 = arith.constant 0 : index
    %swap3A_382 = arith.constant 8 : index
    %swap3A_383 = vector.load %arg4[%swap3A_381, %swap3A_382] : memref<400x10xi32, #tpu.memory_space<vmem>>, vector<400x1xi32>
    %swap3A_384 = vector.shape_cast %swap3A_383 : vector<400x1xi32> to vector<400xi32>
    %swap3A_385 = vector.shape_cast %squeeze3A_380 : vector<400xi32> to vector<400x1xi32>
    tpu.vector_store %arg4[%swap3A_381, %swap3A_382], %swap3A_385 {strides = array<i32>} : memref<400x10xi32, #tpu.memory_space<vmem>>, vector<400x1xi32>,
    %jit3A_386 = arith.constant 8192 : i32
    %broadcast_in_dim3A_387 = vector.broadcast %jit3A_386 : i32 to vector<400x1xi32>
    %select_n3A_388 = arith.select %le3A_376, %broadcast_in_dim3A_370, %broadcast_in_dim3A_387 : vector<400x1xi1>, vector<400x1xi32>
    %squeeze3A_389 = vector.shape_cast %select_n3A_388 : vector<400x1xi32> to vector<400xi32>
    %swap3A_390 = arith.constant 0 : index
    %swap3A_391 = arith.constant 8 : index
    %swap3A_392 = vector.load %arg5[%swap3A_390, %swap3A_391] : memref<400x10xi32, #tpu.memory_space<vmem>>, vector<400x1xi32>
    %swap3A_393 = vector.shape_cast %swap3A_392 : vector<400x1xi32> to vector<400xi32>
    %swap3A_394 = vector.shape_cast %squeeze3A_389 : vector<400xi32> to vector<400x1xi32>
    tpu.vector_store %arg5[%swap3A_390, %swap3A_391], %swap3A_394 {strides = array<i32>} : memref<400x10xi32, #tpu.memory_space<vmem>>, vector<400x1xi32>,
    %eq3A_395 = vector.broadcast %and3A_373 : vector<400x1xi32> to vector<400x4096xi32>
    %eq3A_396 = arith.cmpi eq, %iota3A, %eq3A_395 : vector<400x4096xi32>
    %select_n3A_397 = arith.select %eq3A_396, %select_n3A_359, %select_n3A_355 : vector<400x4096xi1>, vector<400x4096xf32>
    %select_n3A_398 = arith.select %eq3A_396, %select_n3A_29, %select_n3A_356 : vector<400x4096xi1>, vector<400x4096xi32>
    %reduce_min3A_399 = arith.constant dense<0x7F800000> : vector<400xf32>
    %reduce_min3A_400 = vector.multi_reduction <minimumf>, %select_n3A_397, %reduce_min3A_399 [1] : vector<400x4096xf32> to vector<400xf32>
    %broadcast_in_dim3A_401 = vector.shape_cast %reduce_min3A_400 : vector<400xf32> to vector<400x1xf32>
    %eq3A_402 = vector.broadcast %broadcast_in_dim3A_401 : vector<400x1xf32> to vector<400x4096xf32>
    %eq3A_403 = arith.cmpf oeq, %select_n3A_397, %eq3A_402 : vector<400x4096xf32>
    %jit3A_404 = arith.constant 8192 : i32
    %broadcast_in_dim3A_405 = vector.broadcast %jit3A_404 : i32 to vector<400x4096xi32>
    %select_n3A_406 = arith.select %eq3A_403, %select_n3A_398, %broadcast_in_dim3A_405 : vector<400x4096xi1>, vector<400x4096xi32>
    %reduce_min3A_407 = arith.constant dense<2147483647> : vector<400xi32>
    %reduce_min3A_408 = vector.multi_reduction <minsi>, %select_n3A_406, %reduce_min3A_407 [1] : vector<400x4096xi32> to vector<400xi32>
    %broadcast_in_dim3A_409 = vector.shape_cast %reduce_min3A_408 : vector<400xi32> to vector<400x1xi32>
    %le3A_410 = arith.constant 6.250000e-02 : f32
    %le3A_411 = vector.broadcast %le3A_410 : f32 to vector<400x1xf32>
    %le3A_412 = arith.cmpf ole, %broadcast_in_dim3A_401, %le3A_411 : vector<400x1xf32>
    %jit3A_413 = arith.constant -1 : i32
    %broadcast_in_dim3A_414 = vector.broadcast %jit3A_413 : i32 to vector<400x1xi32>
    %select_n3A_415 = arith.select %le3A_412, %broadcast_in_dim3A_409, %broadcast_in_dim3A_414 : vector<400x1xi1>, vector<400x1xi32>
    %squeeze3A_416 = vector.shape_cast %select_n3A_415 : vector<400x1xi32> to vector<400xi32>
    %swap3A_417 = arith.constant 0 : index
    %swap3A_418 = arith.constant 9 : index
    %swap3A_419 = vector.load %arg4[%swap3A_417, %swap3A_418] : memref<400x10xi32, #tpu.memory_space<vmem>>, vector<400x1xi32>
    %swap3A_420 = vector.shape_cast %swap3A_419 : vector<400x1xi32> to vector<400xi32>
    %swap3A_421 = vector.shape_cast %squeeze3A_416 : vector<400xi32> to vector<400x1xi32>
    tpu.vector_store %arg4[%swap3A_417, %swap3A_418], %swap3A_421 {strides = array<i32>} : memref<400x10xi32, #tpu.memory_space<vmem>>, vector<400x1xi32>,
    %jit3A_422 = arith.constant 8192 : i32
    %broadcast_in_dim3A_423 = vector.broadcast %jit3A_422 : i32 to vector<400x1xi32>
    %select_n3A_424 = arith.select %le3A_412, %broadcast_in_dim3A_409, %broadcast_in_dim3A_423 : vector<400x1xi1>, vector<400x1xi32>
    %squeeze3A_425 = vector.shape_cast %select_n3A_424 : vector<400x1xi32> to vector<400xi32>
    %swap3A_426 = arith.constant 0 : index
    %swap3A_427 = arith.constant 9 : index
    %swap3A_428 = vector.load %arg5[%swap3A_426, %swap3A_427] : memref<400x10xi32, #tpu.memory_space<vmem>>, vector<400x1xi32>
    %swap3A_429 = vector.shape_cast %swap3A_428 : vector<400x1xi32> to vector<400xi32>
    %swap3A_430 = vector.shape_cast %squeeze3A_425 : vector<400xi32> to vector<400x1xi32>
    tpu.vector_store %arg5[%swap3A_426, %swap3A_427], %swap3A_430 {strides = array<i32>} : memref<400x10xi32, #tpu.memory_space<vmem>>, vector<400x1xi32>,
    return
  }
  func.func @transform_0(%arg0: i32) -> (i32, i32) {
    %c0_i32 = arith.constant 0 : i32
    %c0_i32_0 = arith.constant 0 : i32
    return %arg0, %c0_i32 : i32, i32
  }
  func.func @transform_1(%arg0: i32) -> (i32, i32) {
    %c0_i32 = arith.constant 0 : i32
    %c0_i32_0 = arith.constant 0 : i32
    %c0_i32_1 = arith.constant 0 : i32
    return %c0_i32, %c0_i32_0 : i32, i32
  }
  func.func @transform_2(%arg0: i32) -> (i32, i32) {
    %c0_i32 = arith.constant 0 : i32
    %c0_i32_0 = arith.constant 0 : i32
    %c0_i32_1 = arith.constant 0 : i32
    return %c0_i32, %c0_i32_0 : i32, i32
  }
  func.func @transform_3(%arg0: i32) -> (i32, i32) {
    %c0_i32 = arith.constant 0 : i32
    %c0_i32_0 = arith.constant 0 : i32
    return %arg0, %c0_i32 : i32, i32
  }
  func.func @transform_4(%arg0: i32) -> (i32, i32) {
    %c0_i32 = arith.constant 0 : i32
    %c0_i32_0 = arith.constant 0 : i32
    return %arg0, %c0_i32 : i32, i32
  }
}

</mosaic_0001>

<sc_bundles>
// kernel: kernel.4.cloned.1.call-start
scs
__scs_entry_jumppad:
0x0: {  	(pc) =	sbr.rel $0x88, $3  }
0x1: {  	(tag) =	ssettag $0x0;
	lr =	simm.s32 $0x1  }
0x2: {  	[smem:$0x3F9F] =	sst lr;
	_ =	strace $0xD0000000  }
0x3: {  	_ = 	snop  }
0x4: {  	_ = 	snop  }
0x5: {  	_ = 	snop  }
0x6: {  	_ = 	snop  }
0x7: {  	_ = 	snop  }
__scs_overlays_trampoline_lowered:
0x8: {  	[smem:$0x3FAE] =	sst s0  }
0x9: {  	[smem:$0x3FAF] =	sst s1  }
0xa: {  	[smem:$0x3FB0] =	sst s2  }
0xb: {  	[smem:$0x3FB1] =	sst s3  }
0xc: {  	[smem:$0x3FB2] =	sst s4  }
0xd: {  	[smem:$0x3FB3] =	sst s5  }
0xe: {  	[smem:$0x3FB4] =	sst s6  }
0xf: {  	[smem:$0x3FB5] =	sst s7  }
0x10: {  	[smem:$0x3FB6] =	sst s8  }
0x11: {  	[smem:$0x3FB7] =	sst s9;
	s0 =	simm.s32 @!p0 $0x0  }
0x12: {  	s1 =	sld [smem:$0x3F9D];
	s0 =	simm.s32 @p0 $0x1  }
0x13: {  	[smem:$0x3FB8] =	sst s0;
	s0 =	simm.s32 @!p1 $0x0  }
0x14: {  	s2 =	sld [smem:$0x3F9C];
	s0 =	simm.s32 @p1 $0x1  }
0x15: {  	[smem:$0x3FB9] =	sst s0;
	s0 =	simm.s32 @!p2 $0x0  }
0x16: {  	s3 =	sld [smem:$0x3FDB];
	s0 =	simm.s32 @p2 $0x1  }
0x17: {  	s4 =	simm.s32 $0x1BF5;
	[smem:$0x3FBB] =	sst s0  }
0x18: {  	s0 =	sld [smem:$0x3F9E];
	_ =	swait.ge [sflag:s4], $0x0  }
0x19: {  	s7 =	sld [smem:$0x3F9F]  }
0x1a: {  	s8 =	sadd.s32 $0xFFFFE003, lr  }
0x1b: {  	s9 =	sadd.s32 $0xFFFFFEF7, lr;
	s5 =	simm.s32 $0xFFFFFFFF;
	p2 =	slt.u32 s8, $0xFFFFF086  }
0x1c: {  	p1 =	slt.u32 s9, $0xF7A;
	s5 =	simm.s32 @!p2 $0x0  }
0x1d: {  	s5 =	simm.s32 @p1 $0x1;
	p0 =	seq.s32 s7, s2  }
0x1e: {  	s7 =	smul.u32 @!p0 $0xF7A, s2;
	p2 =	seq.s32 @!p0 s5, $0x0  }
0x1f: {  	s9 =	smul.u32 $0xF7A, s1;
	s8 =	simm.s32 @!p0 $0x1BF5;
	p2 =	por !p2, p0  }
0x20: {  	[sflag:s8] =	ssyncset.s32 @!p0 $0xFFFFF086;
	s6 =	sadd.s32 @!p0 s3, s7;
	s7 =	simm.s32 @!p0 $0x108  }
0x21: {  	s3 =	sadd.s32 s3, s9;
	s6 =	sadd.s32 @!p0 $0x88, s6;
	s7 =	simm.s32 @p2 $0x1082  }
0x22: {  	[simem:s7], [sflag:s8] =	dma.local @!p0 [hbm:s6], $0xF7A  }
0x23: {  	s9 =	sor.u32 $0xD0000000, s2;
	s6 =	simm.s32 $0x108;
	_ =	swait.ge @!p0 [sflag:s8], $0x0  }
0x24: {  	s3 =	sadd.s32 $0x88, s3;
	s6 =	simm.s32 @!p1 $0x1082;
	[sflag:s4] =	ssyncset.s32 $0xFFFFF086  }
0x25: {  	[simem:s6], [sflag:s4] =	dma.local [hbm:s3], $0xF7A  }
0x26: {  	[smem:$0x3F9F] =	sst s1;
	(tag) =	ssettag s2;
	_ =	strace s9  }
0x27: {  	s1 =	sld [smem:$0x3FAF]  }
0x28: {  	s2 =	sld [smem:$0x3FB0]  }
0x29: {  	s4 =	sld [smem:$0x3FB2]  }
0x2a: {  	p0 =	seq.s32 s5, $0x0;
	s5 =	sld [smem:$0x3FB3]  }
0x2b: {  	s6 =	sld [smem:$0x3FB4]  }
0x2c: {  	s7 =	sld [smem:$0x3FB5]  }
0x2d: {  	s3 =	simm.s32 $0x108;
	s8 =	sld [smem:$0x3FB6]  }
0x2e: {  	s3 =	simm.s32 @!p0 $0x1082;
	s9 =	sld [smem:$0x3FB7]  }
0x2f: {  	lr =	sadd.s32 s0, s3;
	s0 =	sld [smem:$0x3FAE]  }
0x30: {  	s3 =	sld [smem:$0x3FB1]  }
0x31: {  	[smem:$0x3FBA] =	sst s10  }
0x32: {  	s10 =	sld [smem:$0x3FB8];
	_ =	sdelay $0x3  }
0x33: {  	p0 =	seq.s32 s10, $0x1;
	s10 =	sld [smem:$0x3FBA];
	_ =	sdelay $0x3  }
0x34: {  	[smem:$0x3FBA] =	sst s10  }
0x35: {  	s10 =	sld [smem:$0x3FB9];
	_ =	sdelay $0x3  }
0x36: {  	p1 =	seq.s32 s10, $0x1;
	s10 =	sld [smem:$0x3FBA];
	_ =	sdelay $0x3  }
0x37: {  	[smem:$0x3FBA] =	sst s10  }
0x38: {  	s10 =	sld [smem:$0x3FBB]  }
0x39: {  	_ = 	snop;
	(pc) =	sbr.ind lr, $3  }
0x3a: {  	_ = 	snop  }
0x3b: {  	_ = 	snop  }
0x3c: {  	p2 =	seq.s32 s10, $0x1;
	s10 =	sld [smem:$0x3FBA]  }
0x3d: {  	_ =	shalt  }
0x3e: {  	_ =	shalt  }
0x3f: {  	_ =	shalt  }
0x40: {  	_ =	shalt  }
0x41: {  	_ =	shalt  }
0x42: {  	_ =	shalt  }
0x43: {  	_ =	shalt  }
0x44: {  	_ =	shalt  }
0x45: {  	_ =	shalt  }
0x46: {  	_ =	shalt  }
0x47: {  	_ =	shalt  }
0x48: {  	_ =	shalt  }
0x49: {  	_ =	shalt  }
0x4a: {  	_ =	shalt  }
0x4b: {  	_ =	shalt  }
0x4c: {  	_ =	shalt  }
0x4d: {  	_ =	shalt  }
0x4e: {  	_ =	shalt  }
0x4f: {  	_ =	shalt  }
0x50: {  	_ =	shalt  }
0x51: {  	_ =	shalt  }
0x52: {  	_ =	shalt  }
0x53: {  	_ =	shalt  }
0x54: {  	_ =	shalt  }
0x55: {  	_ =	shalt  }
0x56: {  	_ =	shalt  }
0x57: {  	_ =	shalt  }
0x58: {  	_ =	shalt  }
0x59: {  	_ =	shalt  }
0x5a: {  	_ =	shalt  }
0x5b: {  	_ =	shalt  }
0x5c: {  	_ =	shalt  }
0x5d: {  	_ =	shalt  }
0x5e: {  	_ =	shalt  }
0x5f: {  	_ =	shalt  }
0x60: {  	_ =	shalt  }
0x61: {  	_ =	shalt  }
0x62: {  	_ =	shalt  }
0x63: {  	_ =	shalt  }
0x64: {  	_ =	shalt  }
0x65: {  	_ =	shalt  }
0x66: {  	_ =	shalt  }
0x67: {  	_ =	shalt  }
0x68: {  	_ =	shalt  }
0x69: {  	_ =	shalt  }
0x6a: {  	_ =	shalt  }
0x6b: {  	_ =	shalt  }
0x6c: {  	_ =	shalt  }
0x6d: {  	_ =	shalt  }
0x6e: {  	_ =	shalt  }
0x6f: {  	_ =	shalt  }
0x70: {  	_ =	shalt  }
0x71: {  	_ =	shalt  }
0x72: {  	_ =	shalt  }
0x73: {  	_ =	shalt  }
0x74: {  	_ =	shalt  }
0x75: {  	_ =	shalt  }
0x76: {  	_ =	shalt  }
0x77: {  	_ =	shalt  }
0x78: {  	_ =	shalt  }
0x79: {  	_ =	shalt  }
0x7a: {  	_ =	shalt  }
0x7b: {  	_ =	shalt  }
0x7c: {  	_ =	shalt  }
0x7d: {  	_ =	shalt  }
0x7e: {  	_ =	shalt  }
0x7f: {  	_ =	shalt  }
0x80: {  	_ =	shalt  }
0x81: {  	_ =	shalt  }
0x82: {  	_ =	shalt  }
0x83: {  	_ =	shalt  }
0x84: {  	_ =	shalt  }
0x85: {  	_ =	shalt  }
0x86: {  	_ =	shalt  }
0x87: {  	_ =	shalt  }
.Lfunc_end0:
.L_simem_size_0:
called_computation_lowered:
.L_overlay_start_0:
0x88: {  	s2 =	sld [smem:$0x3FD9]  }
0x89: {  	s3 =	sld [smem:$0x3FFE];
	_ =	sdelay $0x1  }
0x8a: {  	s1 =	srdreg.scid  }
0x8b: {  	s0 =	sand.u32 $0x1, s1  }
0x8c: {  	s14 =	sshll.u32 s0, $0xA;
	s2 =	sadd.s32 s3, s2  }
0x8d: {  	s2 =	sadd.s32 s2, s14  }
0x8e: {  	[smem:$0x3FC6] =	sst s2  }
0x8f: {  	_ = 	snop  }
0x90: {  	s2 =	sld [smem:$0x3FD0];
	_ =	sdelay $0x2  }
0x91: {  	s15 =	simm.s32 $0xA;
	s4 =	simm.s32 $0x10  }
0x92: {  	[smem:s4], [sflag:s15] =	dma.local [hbm:s2], $0x1  }
0x93: {  	_ =	swait.eq [sflag:s15], $0x1  }
0x94: {  	[sflag:s15] =	ssyncset.done $0x0  }
0x95: {  	[sflag:s15] =	ssyncadd.s32 $0xFFFFFFFF  }
0x96: {  	s16 =	sld [smem:$0x11];
	(tm) =	ssettm $0x1  }
0x97: {  	s17 =	sld [smem:$0x3FFB];
	_ =	sdelay $0x3  }
0x98: {  	_ =	strace s17  }
0x99: {  	s3 =	sld [smem:$0x3FFC];
	_ =	sdelay $0x3  }
0x9a: {  	_ =	strace s3  }
0x9b: {  	s3 =	sld [smem:$0x3FFD];
	_ =	sdelay $0x3  }
0x9c: {  	_ =	strace s3  }
0x9d: {  	_ =	strace $0x8FFFFFFF  }
0x9e: {  	s18 =	sld [smem:$0x3FDB];
	_ =	sdelay $0x1  }
0x9f: {  	s19 =	simm.s32 $_scs_section_size  }
0xa0: {  	s5 =	simm.s32 $_size__tile_overlayer_lowered;
	s6 =	simm.s32 $_tile_overlayer_lowered  }
0xa1: {  	s22 =	simm.s32 $0x1BFF;
	s21 =	sshll.u32 s6, $0x1;
	s3 =	sadd.s32 s19, s18  }
0xa2: {  	s7 =	simm.s32 $0x0;
	s20 =	sshll.u32 s5, $0x1;
	s5 =	sadd.s32 s21, s3  }
0xa3: {  	[timem:s7], [sflag:s22] =	dma.local [hbm:s5], s20  }
0xa4: {  	_ =	swait.ge [sflag:s22], s20  }
0xa5: {  	s4 =	ssub.s32 $0x0, s20;
	[sflag:s22] =	ssyncset.done $0x0  }
0xa6: {  	[sflag:s22] =	ssyncadd.s32 s4;
	_ =	sdelay $0x1  }
0xa7: {  	s23 =	simm.s32 $0x1B8B  }
0xa8: {  	_ =	swait.ge [sflag:s23], $0x1  }
0xa9: {  	[sflag:s23] =	ssyncset.done $0x0  }
0xaa: {  	s25 =	simm.s32 $0x1B8E;
	s24 =	sld [smem:$0x3FFE];
	[sflag:s23] =	ssyncadd.s32 $0xFFFFFFFF  }
0xab: {  	s26 =	simm.s32 $execute0_lowered;
	[smem:$0x3FD2] =	sst s25  }
0xac: {  	s5 =	sshll.u32 s26, $0x1;
	_ =	strace $0x80000046;
	[dreg:$0x1] =	wrdreg $0xFFFFFFFF  }
0xad: {  	s28 =	simm.s32 $_size_execute0_lowered;
	s3 =	sadd.s32 s3, s5;
	[dreg:$0x0] =	wrdreg $0x0  }
0xae: {  	s5 =	sshll.u32 s28, $0x1;
	[dreg:$0x2] =	wrdreg s3  }
0xaf: {  	[dreg:$0x3] =	wrdreg s5  }
0xb0: {  	[dreg:$0x4] =	wrdreg $0xC0  }
0xb1: {  	_ =	task [dreg:s7], $0x5FFFF  }
0xb2: {  	[dreg:$0x1] =	wrdreg $0xFFFFFFFF  }
0xb3: {  	[dreg:$0x0] =	wrdreg $0x60  }
0xb4: {  	[dreg:$0x2] =	wrdreg s24  }
0xb5: {  	[dreg:$0x3] =	wrdreg s16  }
0xb6: {  	[dreg:$0x4] =	wrdreg $0x9  }
0xb7: {  	_ =	task.clear_ibuf [dreg:s7], $0x5FFFF;
	_ =	strace $0x90000046  }
0xb8: {  	s29 =	simm.s32 $0x9;
	_ =	strace $0x80000048  }
0xb9: {  	_ =	swait.ge [sflag:s29], $0x1  }
0xba: {  	[sflag:s29] =	ssyncadd.s32 $0xFFFFFFFF  }
0xbb: {  	_ =	strace $0x90000048  }
0xbc: {  	_ =	sfence  }
0xbd: {  	s30 =	sld [smem:$0x0];
	_ =	sdelay $0x2  }
0xbe: {  	s31 =	sshll.u32 s1, $0xD;
	s1 =	sshrl.u32 s1, $0x2  }
0xbf: {  	s3 =	sand.u32 $0x4000, s31;
	s1 =	sadd.s32 s1, s30  }
0xc0: {  	s0 =	sor.u32 s3, s0;
	s1 =	sshll.u32 s1, $0x11  }
0xc1: {  	s0 =	sor.u32 s1, s0  }
0xc2: {  	s0 =	sadd.s32 $0x8F2B, s0  }
0xc3: {  	[sflag:s0] =	ssyncadd.remote.s32 $0x1  }
0xc4: {  	_ =	sfence.sel $0xFFFF  }
0xc5: {  	[dreg:$0x0] =	wrdreg $0xFFFFFFFF;
	(pc) =	sbr.abs _section_cstart, $3  }
0xc6: {  	[dreg:$0x1] =	wrdreg $0xFFFFFFFF  }
0xc7: {  	_ =	task.clear_ibuf [dreg:s7], $0x2FFFF;
	_ =	strace $0x9FFFFFFF  }
0xc8: {  	(tm) =	ssettm $0x7FFFFFFF  }
0xc9: {  	_ =	shalt  }
tec
execute0_lowered:
.L_overlay_start_1:
0x0: {  	(tag) =	ssettag $0x1  }
0x1: {  	s1 =	srdreg.scid;
	s4 =	rddreg [dreg:$0x0]  }
0x2: {  	s0 =	stileid.u32;
	s5 =	rddreg [dreg:$0x1];
	s2 =	simm.s32 $0x0  }
0x3: {  	s10 =	simm.s32 $0x8080;
	s3 =	sand.u32 $0x1, s1;
	s30 =	sshll.u32 s0, $0x1  }
0x4: {  	s11 =	simm.s32 $0x8D00;
	s12 =	simm.s32 $0x9980;
	s6 =	sor.u32 s3, s30  }
0x5: {  	s13 =	simm.s32 $0xA600;
	s1 =	rddreg [dreg:$0x2];
	s6 =	smul.u32 $0xC80, s6  }
0x6: {  	s14 =	simm.s32 $0x0;
	[smem:$0x7FF] =	sst s2;
	s7 =	ssub.s32 $0x2, s3  }
0x7: {  	_ =	strace $0x80000047;
	s31 =	sshrl.u32 s7, $0x1;
	s6 =	sshrl.u32 s6, $0x3  }
0x8: {  	s3 =	sadd.s32 $0x800, s4;
	s9 =	ssub.s32 s7, s31;
	s8 =	sadd.s32 s6, s4  }
0x9: {  	s4 =	sadd.s32 s5, s6;
	s5 =	sadd.s32 $0x1A00, s8;
	s6 =	sadd.s32 $0x4C00, s8  }
0xa: {  	s7 =	sadd.s32 $0x7E00, s8;
	s8 =	smax.u32 s9, $0x1;
	s9 =	simm.s32 $0x1  }
.LBB2_1:
0xb: {  	[tilespmem:s2], [sflag:$0x1] =	stream.linear.gather [hbm4b:s3+s2], $0x8080, $0x38;
	[tilespmem:$0xB280] =	vst v63  }
0xc: {  	_ =	swait.ge [sflag:s9], $0x8080  }
0xd: {  	[sflag:s9] =	ssyncset.done $0x0  }
0xe: {  	[sflag:s9] =	ssyncadd.s32 $0xFFFF7F80  }
0xf: {  	[tilespmem:s10], [sflag:$0x1] =	stream.linear.gather [hbm4b:s4+s2], $0xC80, $0x38;
	[tilespmem:$0xB280] =	vst v63  }
0x10: {  	_ =	swait.ge [sflag:s9], $0xC80  }
0x11: {  	[sflag:s9] =	ssyncset.done $0x0  }
0x12: {  	s15 =	simm.s32 $0x0;
	[sflag:s9] =	ssyncadd.s32 $0xFFFFF380  }
0x13: {  	v0 =	vld [tilespmem:s15+$0x8080];
	_ =	sdelay $0x4  }
0x14: {  	v1 =	vshll.u32 v0, $0x2;
	_ =	sdelay $0x4  }
0x15: {  	v0 =	vld.idx.msk [tilespmem:v1+s2+$0x0], $0xffff  }
0x16: {  	v2 =	vor.u32 $0x1, v1;
	_ =	sdelay $0x3  }
0x17: {  	[tilespmem:s15+$0x8D00] =	vst v0  }
0x18: {  	v0 =	vld.idx.msk [tilespmem:v2+s2+$0x0], $0xffff  }
0x19: {  	v1 =	vor.u32 $0x2, v1  }
0x1a: {  	s17 =	simm.s32 $0x10;
	s16 =	simm.s32 $0x80  }
.LBB2_2:
0x1b: {  	p0 =	sne.s32 s16, $0x31C0;
	v2 =	vld [tilespmem:s17+$0x8080];
	_ =	sdelay $0x1  }
0x1c: {  	[tilespmem:s15+$0x9980] =	vst v0  }
0x1d: {  	v0 =	vld.idx.msk [tilespmem:v1+s2+$0x0], $0xffff;
	_ =	sdelay $0x1  }
0x1e: {  	v1 =	vshll.u32 v2, $0x2;
	_ =	sdelay $0x3  }
0x1f: {  	[tilespmem:s15+$0xA600] =	vst v0;
	s15 =	smov.u32 s17  }
0x20: {  	v0 =	vld.idx.msk [tilespmem:v1+s2+$0x0], $0xffff;
	_ =	sdelay $0x1  }
0x21: {  	v2 =	vor.u32 $0x1, v1;
	_ =	sdelay $0x3  }
.Ltmp0:
0x22: {  	[tilespmem:s15+$0x8D00] =	vst v0;
	(pc) =	sbr.rel @p0 .LBB2_2-.Ltmp0, $3  }
0x23: {  	v0 =	vld.idx.msk [tilespmem:v2+s2+$0x0], $0xffff;
	_ =	sdelay $0x1  }
0x24: {  	v1 =	vor.u32 $0x2, v1  }
0x25: {  	s17 =	sshra.s32 s16, $0x2;
	s16 =	sadd.s32 $0x40, s16  }
0x26: {  	v2 =	vld [tilespmem:s17+$0x8080];
	_ =	sdelay $0x2  }
0x27: {  	[tilespmem:s15+$0x9980] =	vst v0  }
0x28: {  	v0 =	vld.idx.msk [tilespmem:v1+s2+$0x0], $0xffff  }
0x29: {  	v63 =	vshll.u32 v2, $0x2;
	_ =	sdelay $0x3  }
0x2a: {  	[tilespmem:s15+$0xA600] =	vst v0  }
0x2b: {  	v0 =	vld.idx.msk [tilespmem:v63+s2+$0x0], $0xffff  }
0x2c: {  	v2 =	vor.u32 $0x1, v63;
	_ =	sdelay $0x3  }
0x2d: {  	[tilespmem:s17+$0x8D00] =	vst v0  }
0x2e: {  	v0 =	vld.idx.msk [tilespmem:v2+s2+$0x0], $0xffff  }
0x2f: {  	v1 =	vor.u32 $0x2, v63;
	_ =	sdelay $0x3  }
0x30: {  	[tilespmem:s17+$0x9980] =	vst v0  }
0x31: {  	v0 =	vld.idx.msk [tilespmem:v1+s2+$0x0], $0xffff;
	_ =	sdelay $0x4  }
0x32: {  	[tilespmem:s17+$0xA600] =	vst v0  }
0x33: {  	[hbm4b:s5+s2] =	stream.linear.scatter [tilespmem:s11], [sflag:$0x1], $0xC80, $0x38;
	[tilespmem:$0xB280] =	vst v63  }
0x34: {  	_ =	swait.ge [sflag:s9], $0xC80  }
0x35: {  	[sflag:s9] =	ssyncset.done $0x0  }
0x36: {  	[sflag:s9] =	ssyncadd.s32 $0xFFFFF380  }
0x37: {  	[hbm4b:s6+s2] =	stream.linear.scatter [tilespmem:s12], [sflag:$0x1], $0xC80, $0x38;
	[tilespmem:$0xB280] =	vst v63  }
0x38: {  	s14 =	sadd.s32 $0x1, s14;
	_ =	swait.ge [sflag:s9], $0xC80  }
0x39: {  	p0 =	sne.s32 s14, s8;
	[sflag:s9] =	ssyncset.done $0x0  }
.Ltmp1:
0x3a: {  	[sflag:s9] =	ssyncadd.s32 $0xFFFFF380;
	(pc) =	sbr.rel @p0 .LBB2_1-.Ltmp1, $4  }
0x3b: {  	[hbm4b:s7+s2] =	stream.linear.scatter [tilespmem:s13], [sflag:$0x1], $0xC80, $0x38;
	[tilespmem:$0xB280] =	vst v63  }
0x3c: {  	_ =	swait.ge [sflag:s9], $0xC80  }
0x3d: {  	[sflag:s9] =	ssyncset.done $0x0  }
0x3e: {  	[sflag:s9] =	ssyncadd.s32 $0xFFFFF380  }
0x3f: {  	_ =	sfence.sel $0x180000  }
0x40: {  	[bflag:$0x0] =	sbarrier.arrive $0xFFFF  }
0x41: {  	p0 =	sne.s32 s0, $0x0;
	_ =	strace $0x90000047  }
0x42: {  	s0 =	sadd.s32 @!p0 $0x100000, s1;
	[bflag:$0x2] =	sbarrier.arrive $0xFFFF  }
0x43: {  	[sflag:s0] =	ssyncadd.tile.s32 @!p0 $0x1;
	_ =	shalt  }
.Lfunc_end2:
_tile_overlayer_lowered:
.L_overlay_start_2:
0x44: {  	(tag) =	ssettag $0x2  }
0x45: {  	s0 =	rddreg [dreg:$0x0];
	s2 =	stileid.u32  }
0x46: {  	s1 =	rddreg [dreg:$0x1];
	p0 =	sne.s32 s2, $0x0  }
0x47: {  	s3 =	rddreg [dreg:$0x2];
	[bflag:$0x3] =	sbarrier.arrive $0xFFFF;
	s2 =	simm.s32 @!p0 $0x1C01  }
0x48: {  	[timem:s3], [sflag:s2] =	dma.local @!p0 [hbm:s0], s1  }
0x49: {  	s0 =	simm.s32 @!p0 $0x1  }
0x4a: {  	_ =	swait.ge @!p0 [sflag:s0], s1  }
0x4b: {  	s1 =	ssub.s32 @!p0 $0x0, s1;
	[sflag:s0] =	ssyncset.done @!p0 $0x0  }
0x4c: {  	[sflag:s0] =	ssyncadd.s32 @!p0 s1  }
0x4d: {  	[bflag:$0x3] =	sbarrier.arrive $0xFFFF  }
0x4e: {  	_ =	shalt  }

</sc_bundles>
